<compile_context>
chip_gen: v7x
topology: tpu7x:2x2x1
jax: 0.10.2.dev20260603
libtpu: 0.0.44.dev20260713+nightly
codegen_flags: <defaults>
</compile_context>

<pallas_src>
import jax
import jax.numpy as jnp
from jax import lax
from jax.experimental import pallas as pl
from jax.experimental.pallas import tpu as pltpu
from jax.experimental.pallas import tpu_sc as plsc

_E = 64
_F = 8192
_EPS = 1e-06
_NC, _NS = 2, 16
_NW = _NC * _NS
_TOKENS = 4 * 8192
_TPW = _TOKENS // _NW
_GRP = _TPW // 16
_DEPTH = 8


def _sc_body(e_hbm, g_hbm, f_hbm, fec_hbm, counts_hbm, imp_hbm,
             e_v, g_v, f_v, hist, imp, acc, sem):
    c = lax.axis_index("c")
    s = lax.axis_index("s")
    wid = c * _NS + s

    d1 = pltpu.async_copy(e_hbm.at[pl.ds(wid * _TPW * 8, _TPW * 8)], e_v, sem)
    d2 = pltpu.async_copy(g_hbm.at[pl.ds(wid * _TPW * 8, _TPW * 8)], g_v, sem)
    d3 = pltpu.async_copy(f_hbm.at[pl.ds(wid * _GRP, _GRP)], f_v, sem)
    rows = _F // _NS
    d4 = pltpu.async_copy(fec_hbm.at[pl.ds(s * rows, rows)],
                          acc.at[pl.ds(s * rows, rows)], sem)

    z16 = jnp.zeros((16,), jnp.float32)

    @pl.loop(0, _GRP)
    def _z(i):
        imp[i, :] = z16
        for r in range(16):
            for j in range(4):
                hist[i, r, pl.ds(j * 16, 16)] = z16

    d1.wait()
    d2.wait()
    d3.wait()
    d4.wait()
    plsc.subcore_barrier()

    ones16 = jnp.ones((16,), jnp.float32)
    lio8 = lax.iota(jnp.int32, 16) * 8
    liota = lax.iota(jnp.int32, 16)

    @pl.loop(0, _GRP)
    def _grp(g):
        base = g * 128
        for k in range(8):
            idx = lio8 + (base + k)
            ev = plsc.load_gather(e_v, [idx])
            plsc.addupdate_scatter(hist.at[g], [liota, ev], ones16)
            gv = plsc.load_gather(g_v, [idx])
            plsc.addupdate_scatter(imp, [ev, liota], gv)
        pltpu.async_copy(hist.at[g], acc.at[f_v.at[g]], sem, add=True)
        @pl.when(g >= _DEPTH)
        def _():
            pltpu.make_async_copy(fec_hbm.at[pl.ds(0, 16)], hist.at[0], sem).wait()

    @pl.loop(0, _DEPTH)
    def _drain(i):
        pltpu.make_async_copy(fec_hbm.at[pl.ds(0, 16)], hist.at[0], sem).wait()

    pltpu.sync_copy(imp, imp_hbm.at[wid])

    plsc.subcore_barrier()
    pltpu.sync_copy(acc.at[pl.ds(s * rows, rows)],
                    counts_hbm.at[c, pl.ds(s * rows, rows)])


def _tc_body(counts_ref, fec_ref, imp_ref, out_ref):
    fec = counts_ref[0] + counts_ref[1] - fec_ref[...]
    ssum = jnp.sum(fec, axis=1, keepdims=True)
    p = fec / (ssum + _EPS)
    spec = -jnp.sum(p * jnp.log(p + _EPS)) / (_F * _E)

    imp2d = jnp.sum(imp_ref[...], axis=0)
    impv = jnp.sum(imp2d, axis=1, keepdims=True)
    m = jnp.sum(impv) / _E
    var = jnp.sum((impv - m) ** 2) / (_E - 1)
    balance = jnp.sqrt(var) / (m + _EPS)
    loss = balance + (1.0 - spec)

    lane = lax.broadcasted_iota(jnp.int32, (1, 128), 1)
    out_ref[...] = jnp.where(lane == 0, loss,
                             jnp.where(lane == 1, balance, spec))


def kernel(gates, expert_indices, feature_indices, feature_expert_counts):
    e_flat = expert_indices.reshape(-1).astype(jnp.int32)
    g_flat = gates.reshape(-1)
    f2d = feature_indices.reshape(-1, 16).astype(jnp.int32)
    fec = feature_expert_counts

    mesh = plsc.VectorSubcoreMesh(core_axis_name="c", subcore_axis_name="s",
                                  num_cores=_NC, num_subcores=_NS)
    sc_call = pl.kernel(
        _sc_body,
        out_type=[
            jax.ShapeDtypeStruct((_NC, _F, _E), jnp.float32),
            jax.ShapeDtypeStruct((_NW, _E, 16), jnp.float32),
        ],
        mesh=mesh,
        scratch_types=[
            pltpu.VMEM((_TPW * 8,), jnp.int32),
            pltpu.VMEM((_TPW * 8,), jnp.float32),
            pltpu.VMEM((_GRP, 16), jnp.int32),
            pltpu.VMEM((_GRP, 16, _E), jnp.float32),
            pltpu.VMEM((_E, 16), jnp.float32),
            pltpu.VMEM_SHARED((_F, _E), jnp.float32),
            pltpu.SemaphoreType.DMA,
        ],
        compiler_params=pltpu.CompilerParams(needs_layout_passes=False,
                                             use_tc_tiling_on_sc=False),
    )
    counts2, imp32 = sc_call(e_flat, g_flat, f2d, fec)

    out = pl.pallas_call(
        _tc_body,
        out_shape=jax.ShapeDtypeStruct((1, 128), jnp.float32),
    )(counts2, fec, imp32)

    return out[0, 0], out[0, 1], out[0, 2]

# --- scband reference (transcript-rebuilt; emitter-appended) ---
"""Pipeline reference for scband-mo-ebalancing-loss-44547400794666 (READ-ONLY COPY).

The authoritative reference and input builder live on the scoring server;
editing this copy changes nothing except your own understanding.
"""

import jax, jax.numpy as jnp
import numpy as np

NUM_EXPERTS = 64
NUM_FEATURES = 8192
EPS = 1e-06

def setup_inputs(seed: int = 0) -> dict:
    key = jax.random.key(seed)
    k1, k2, k3 = jax.random.split(key, 3)
    gates = jax.random.uniform(k1, (4, 8192, 8), dtype=jnp.float32)
    expert_indices = jax.random.randint(k2, (4, 8192, 8), 0, NUM_EXPERTS)
    feature_indices = jax.random.randint(k3, (4, 8192), 0, NUM_FEATURES)
    feature_expert_counts = jnp.zeros((NUM_FEATURES, NUM_EXPERTS), dtype=jnp.float32)
    return {"gates": gates, "expert_indices": expert_indices, "feature_indices": feature_indices, "feature_expert_counts": feature_expert_counts}

def reference(gates, expert_indices, feature_indices, feature_expert_counts):
    # flatten token->(feature, expert) assignments
    flat_features = jnp.broadcast_to(feature_indices[..., None], expert_indices.shape).reshape(-1)
    flat_experts = expert_indices.reshape(-1)
    linear_indices = flat_features * NUM_EXPERTS + flat_experts
    # no-grad count update (buffer semantics): scatter-add ones
    counts = jnp.zeros((NUM_FEATURES * NUM_EXPERTS,), dtype=jnp.float32).at[linear_indices].add(1.0)
    fec = feature_expert_counts + counts.reshape(NUM_FEATURES, NUM_EXPERTS)
    feature_probs = fec / (fec.sum(axis=1, keepdims=True) + EPS)
    specialization = -(feature_probs * jnp.log(feature_probs + EPS)).mean()
    # importance: scatter-add gate probabilities per expert
    importance = jnp.zeros((NUM_EXPERTS,), dtype=jnp.float32).at[flat_experts].add(gates.reshape(-1))
    balance = jnp.std(importance, ddof=1) / (jnp.mean(importance) + EPS)
    loss = balance + (1.0 - specialization)
    return (loss, balance, specialization)

if __name__ == "__main__":
    import jax
    _d = setup_inputs()
    print(jax.jit(kernel)(*tuple(_d.values())))

</pallas_src>

<mosaic_0001>
#map = affine_map<(d0, d1) -> (0)>
#map1 = affine_map<(d0, d1) -> (0, 0)>
#map2 = affine_map<(d0, d1) -> (0, 0, 0)>
module attributes {stable_mosaic.version = 14 : i64} {
  func.func @_sc_body(%arg0: i32, %arg1: i32, %arg2: memref<262144xi32, #tpu.memory_space<hbm>>, %arg3: memref<262144xf32, #tpu.memory_space<hbm>>, %arg4: memref<2048x16xi32, #tpu.memory_space<hbm>>, %arg5: memref<8192x64xf32, #tpu.memory_space<hbm>>, %arg6: memref<2x8192x64xf32, #tpu.memory_space<hbm>>, %arg7: memref<32x64x16xf32, #tpu.memory_space<hbm>>, %arg8: memref<8192xi32, #tpu.memory_space<vmem>>, %arg9: memref<8192xf32, #tpu.memory_space<vmem>>, %arg10: memref<64x16xi32, #tpu.memory_space<vmem>>, %arg11: memref<64x16x64xf32, #tpu.memory_space<vmem>>, %arg12: memref<64x16xf32, #tpu.memory_space<vmem>>, %arg13: memref<8192x64xf32, #tpu.memory_space<vmem_shared>>, %arg14: memref<!tpu.dma_semaphore, #tpu.memory_space<semaphore_mem>>) attributes {dimension_semantics = [#tpu.dimension_semantics<core_parallel>, #tpu.dimension_semantics<subcore_parallel>], iteration_bounds = array<i64: 2, 16>, scalar_prefetch = 0 : i64, scratch_operands = 7 : i64, tpu.core_type = #tpu.core_type<sc_vector_subcore>, window_params = [{transform_indices = #map}, {transform_indices = #map}, {transform_indices = #map1}, {transform_indices = #map1}, {transform_indices = #map2}, {transform_indices = #map2}]} {
    %mul3A = arith.constant 16 : i32
    %mul3A_0 = arith.muli %arg0, %mul3A : i32
    %add3A = arith.addi %mul3A_0, %arg1 : i32
    %mul3A_1 = arith.constant 1024 : i32
    %mul3A_2 = arith.muli %add3A, %mul3A_1 : i32
    %mul3A_3 = arith.constant 8 : i32
    %mul3A_4 = arith.muli %mul3A_2, %mul3A_3 : i32
    %dma_start3A = tpu.memref_slice %arg2[%mul3A_4] : memref<262144xi32, #tpu.memory_space<hbm>> -> memref<8192xi32, #tpu.memory_space<hbm>>
    %dma_start3A_5 = tpu.memref_slice %arg2[%mul3A_4] : memref<262144xi32, #tpu.memory_space<hbm>> -> memref<8192xi32, #tpu.memory_space<hbm>>
    tpu.enqueue_dma source(%dma_start3A_5 : memref<8192xi32, #tpu.memory_space<hbm>>) target(%arg8 : memref<8192xi32, #tpu.memory_space<vmem>>) target_semaphore(%arg14 : memref<!tpu.dma_semaphore, #tpu.memory_space<semaphore_mem>>)
    %mul3A_6 = arith.constant 1024 : i32
    %mul3A_7 = arith.muli %add3A, %mul3A_6 : i32
    %mul3A_8 = arith.constant 8 : i32
    %mul3A_9 = arith.muli %mul3A_7, %mul3A_8 : i32
    %dma_start3A_10 = tpu.memref_slice %arg3[%mul3A_9] : memref<262144xf32, #tpu.memory_space<hbm>> -> memref<8192xf32, #tpu.memory_space<hbm>>
    %dma_start3A_11 = tpu.memref_slice %arg3[%mul3A_9] : memref<262144xf32, #tpu.memory_space<hbm>> -> memref<8192xf32, #tpu.memory_space<hbm>>
    tpu.enqueue_dma source(%dma_start3A_11 : memref<8192xf32, #tpu.memory_space<hbm>>) target(%arg9 : memref<8192xf32, #tpu.memory_space<vmem>>) target_semaphore(%arg14 : memref<!tpu.dma_semaphore, #tpu.memory_space<semaphore_mem>>)
    %mul3A_12 = arith.constant 64 : i32
    %mul3A_13 = arith.muli %add3A, %mul3A_12 : i32
    %dma_start3A_14 = arith.constant 0 : i32
    %dma_start3A_15 = tpu.memref_slice %arg4[%mul3A_13, %dma_start3A_14] : memref<2048x16xi32, #tpu.memory_space<hbm>> -> memref<64x16xi32, #tpu.memory_space<hbm>>
    %dma_start3A_16 = arith.constant 0 : i32
    %dma_start3A_17 = tpu.memref_slice %arg4[%mul3A_13, %dma_start3A_16] : memref<2048x16xi32, #tpu.memory_space<hbm>> -> memref<64x16xi32, #tpu.memory_space<hbm>>
    tpu.enqueue_dma source(%dma_start3A_17 : memref<64x16xi32, #tpu.memory_space<hbm>>) target(%arg10 : memref<64x16xi32, #tpu.memory_space<vmem>>) target_semaphore(%arg14 : memref<!tpu.dma_semaphore, #tpu.memory_space<semaphore_mem>>)
    %mul3A_18 = arith.constant 512 : i32
    %mul3A_19 = arith.muli %arg1, %mul3A_18 : i32
    %mul3A_20 = arith.constant 512 : i32
    %mul3A_21 = arith.muli %arg1, %mul3A_20 : i32
    %dma_start3A_22 = arith.constant 0 : i32
    %dma_start3A_23 = tpu.memref_slice %arg13[%mul3A_21, %dma_start3A_22] : memref<8192x64xf32, #tpu.memory_space<vmem_shared>> -> memref<512x64xf32, #tpu.memory_space<vmem_shared>>
    %dma_start3A_24 = arith.constant 0 : i32
    %dma_start3A_25 = tpu.memref_slice %arg5[%mul3A_19, %dma_start3A_24] : memref<8192x64xf32, #tpu.memory_space<hbm>> -> memref<512x64xf32, #tpu.memory_space<hbm>>
    tpu.enqueue_dma source(%dma_start3A_25 : memref<512x64xf32, #tpu.memory_space<hbm>>) target(%dma_start3A_23 : memref<512x64xf32, #tpu.memory_space<vmem_shared>>) target_semaphore(%arg14 : memref<!tpu.dma_semaphore, #tpu.memory_space<semaphore_mem>>)
    %broadcast_in_dim3A = arith.constant 0.000000e+00 : f32
    %broadcast_in_dim3A_26 = vector.broadcast %broadcast_in_dim3A : f32 to vector<16xf32>
    %scan3A = arith.constant 0 : i32
    %scan3A_27 = arith.constant 64 : i32
    %scan3A_28 = arith.addi %scan3A, %scan3A_27 : i32
    %scan3A_29 = arith.constant 1 : i32
    scf.for %scan3A_63 = %scan3A to %scan3A_28 step %scan3A_29  : i32 {
      %mul3A_64 = arith.constant 1 : i32
      %mul3A_65 = arith.muli %scan3A_63, %mul3A_64 : i32
      %add3A_66 = arith.constant 0 : i32
      %add3A_67 = arith.addi %add3A_66, %mul3A_65 : i32
      %swap3A = arith.index_cast %add3A_67 : i32 to index
      %swap3A_68 = arith.constant 0 : index
      %swap3A_69 = tpu.vector_load %arg12[%swap3A, %swap3A_68] {strides = array<i32>} : memref<64x16xf32, #tpu.memory_space<vmem>>, vector<16xf32>,
      tpu.vector_store %arg12[%swap3A, %swap3A_68], %broadcast_in_dim3A_26 {strides = array<i32>} : memref<64x16xf32, #tpu.memory_space<vmem>>, vector<16xf32>,
      %swap3A_70 = arith.constant 0 : i32
      %swap3A_71 = arith.index_cast %add3A_67 : i32 to index
      %swap3A_72 = arith.index_cast %swap3A_70 : i32 to index
      %swap3A_73 = arith.constant 0 : index
      %swap3A_74 = tpu.vector_load %arg11[%swap3A_71, %swap3A_72, %swap3A_73] {strides = array<i32>} : memref<64x16x64xf32, #tpu.memory_space<vmem>>, vector<16xf32>,
      tpu.vector_store %arg11[%swap3A_71, %swap3A_72, %swap3A_73], %broadcast_in_dim3A_26 {strides = array<i32>} : memref<64x16x64xf32, #tpu.memory_space<vmem>>, vector<16xf32>,
      %swap3A_75 = arith.constant 0 : i32
      %swap3A_76 = arith.index_cast %add3A_67 : i32 to index
      %swap3A_77 = arith.index_cast %swap3A_75 : i32 to index
      %swap3A_78 = arith.constant 16 : index
      %swap3A_79 = tpu.vector_load %arg11[%swap3A_76, %swap3A_77, %swap3A_78] {strides = array<i32>} : memref<64x16x64xf32, #tpu.memory_space<vmem>>, vector<16xf32>,
      tpu.vector_store %arg11[%swap3A_76, %swap3A_77, %swap3A_78], %broadcast_in_dim3A_26 {strides = array<i32>} : memref<64x16x64xf32, #tpu.memory_space<vmem>>, vector<16xf32>,
      %swap3A_80 = arith.constant 0 : i32
      %swap3A_81 = arith.index_cast %add3A_67 : i32 to index
      %swap3A_82 = arith.index_cast %swap3A_80 : i32 to index
      %swap3A_83 = arith.constant 32 : index
      %swap3A_84 = tpu.vector_load %arg11[%swap3A_81, %swap3A_82, %swap3A_83] {strides = array<i32>} : memref<64x16x64xf32, #tpu.memory_space<vmem>>, vector<16xf32>,
      tpu.vector_store %arg11[%swap3A_81, %swap3A_82, %swap3A_83], %broadcast_in_dim3A_26 {strides = array<i32>} : memref<64x16x64xf32, #tpu.memory_space<vmem>>, vector<16xf32>,
      %swap3A_85 = arith.constant 0 : i32
      %swap3A_86 = arith.index_cast %add3A_67 : i32 to index
      %swap3A_87 = arith.index_cast %swap3A_85 : i32 to index
      %swap3A_88 = arith.constant 48 : index
      %swap3A_89 = tpu.vector_load %arg11[%swap3A_86, %swap3A_87, %swap3A_88] {strides = array<i32>} : memref<64x16x64xf32, #tpu.memory_space<vmem>>, vector<16xf32>,
      tpu.vector_store %arg11[%swap3A_86, %swap3A_87, %swap3A_88], %broadcast_in_dim3A_26 {strides = array<i32>} : memref<64x16x64xf32, #tpu.memory_space<vmem>>, vector<16xf32>,
      %swap3A_90 = arith.constant 1 : i32
      %swap3A_91 = arith.index_cast %add3A_67 : i32 to index
      %swap3A_92 = arith.index_cast %swap3A_90 : i32 to index
      %swap3A_93 = arith.constant 0 : index
      %swap3A_94 = tpu.vector_load %arg11[%swap3A_91, %swap3A_92, %swap3A_93] {strides = array<i32>} : memref<64x16x64xf32, #tpu.memory_space<vmem>>, vector<16xf32>,
      tpu.vector_store %arg11[%swap3A_91, %swap3A_92, %swap3A_93], %broadcast_in_dim3A_26 {strides = array<i32>} : memref<64x16x64xf32, #tpu.memory_space<vmem>>, vector<16xf32>,
      %swap3A_95 = arith.constant 1 : i32
      %swap3A_96 = arith.index_cast %add3A_67 : i32 to index
      %swap3A_97 = arith.index_cast %swap3A_95 : i32 to index
      %swap3A_98 = arith.constant 16 : index
      %swap3A_99 = tpu.vector_load %arg11[%swap3A_96, %swap3A_97, %swap3A_98] {strides = array<i32>} : memref<64x16x64xf32, #tpu.memory_space<vmem>>, vector<16xf32>,
      tpu.vector_store %arg11[%swap3A_96, %swap3A_97, %swap3A_98], %broadcast_in_dim3A_26 {strides = array<i32>} : memref<64x16x64xf32, #tpu.memory_space<vmem>>, vector<16xf32>,
      %swap3A_100 = arith.constant 1 : i32
      %swap3A_101 = arith.index_cast %add3A_67 : i32 to index
      %swap3A_102 = arith.index_cast %swap3A_100 : i32 to index
      %swap3A_103 = arith.constant 32 : index
      %swap3A_104 = tpu.vector_load %arg11[%swap3A_101, %swap3A_102, %swap3A_103] {strides = array<i32>} : memref<64x16x64xf32, #tpu.memory_space<vmem>>, vector<16xf32>,
      tpu.vector_store %arg11[%swap3A_101, %swap3A_102, %swap3A_103], %broadcast_in_dim3A_26 {strides = array<i32>} : memref<64x16x64xf32, #tpu.memory_space<vmem>>, vector<16xf32>,
      %swap3A_105 = arith.constant 1 : i32
      %swap3A_106 = arith.index_cast %add3A_67 : i32 to index
      %swap3A_107 = arith.index_cast %swap3A_105 : i32 to index
      %swap3A_108 = arith.constant 48 : index
      %swap3A_109 = tpu.vector_load %arg11[%swap3A_106, %swap3A_107, %swap3A_108] {strides = array<i32>} : memref<64x16x64xf32, #tpu.memory_space<vmem>>, vector<16xf32>,
      tpu.vector_store %arg11[%swap3A_106, %swap3A_107, %swap3A_108], %broadcast_in_dim3A_26 {strides = array<i32>} : memref<64x16x64xf32, #tpu.memory_space<vmem>>, vector<16xf32>,
      %swap3A_110 = arith.constant 2 : i32
      %swap3A_111 = arith.index_cast %add3A_67 : i32 to index
      %swap3A_112 = arith.index_cast %swap3A_110 : i32 to index
      %swap3A_113 = arith.constant 0 : index
      %swap3A_114 = tpu.vector_load %arg11[%swap3A_111, %swap3A_112, %swap3A_113] {strides = array<i32>} : memref<64x16x64xf32, #tpu.memory_space<vmem>>, vector<16xf32>,
      tpu.vector_store %arg11[%swap3A_111, %swap3A_112, %swap3A_113], %broadcast_in_dim3A_26 {strides = array<i32>} : memref<64x16x64xf32, #tpu.memory_space<vmem>>, vector<16xf32>,
      %swap3A_115 = arith.constant 2 : i32
      %swap3A_116 = arith.index_cast %add3A_67 : i32 to index
      %swap3A_117 = arith.index_cast %swap3A_115 : i32 to index
      %swap3A_118 = arith.constant 16 : index
      %swap3A_119 = tpu.vector_load %arg11[%swap3A_116, %swap3A_117, %swap3A_118] {strides = array<i32>} : memref<64x16x64xf32, #tpu.memory_space<vmem>>, vector<16xf32>,
      tpu.vector_store %arg11[%swap3A_116, %swap3A_117, %swap3A_118], %broadcast_in_dim3A_26 {strides = array<i32>} : memref<64x16x64xf32, #tpu.memory_space<vmem>>, vector<16xf32>,
      %swap3A_120 = arith.constant 2 : i32
      %swap3A_121 = arith.index_cast %add3A_67 : i32 to index
      %swap3A_122 = arith.index_cast %swap3A_120 : i32 to index
      %swap3A_123 = arith.constant 32 : index
      %swap3A_124 = tpu.vector_load %arg11[%swap3A_121, %swap3A_122, %swap3A_123] {strides = array<i32>} : memref<64x16x64xf32, #tpu.memory_space<vmem>>, vector<16xf32>,
      tpu.vector_store %arg11[%swap3A_121, %swap3A_122, %swap3A_123], %broadcast_in_dim3A_26 {strides = array<i32>} : memref<64x16x64xf32, #tpu.memory_space<vmem>>, vector<16xf32>,
      %swap3A_125 = arith.constant 2 : i32
      %swap3A_126 = arith.index_cast %add3A_67 : i32 to index
      %swap3A_127 = arith.index_cast %swap3A_125 : i32 to index
      %swap3A_128 = arith.constant 48 : index
      %swap3A_129 = tpu.vector_load %arg11[%swap3A_126, %swap3A_127, %swap3A_128] {strides = array<i32>} : memref<64x16x64xf32, #tpu.memory_space<vmem>>, vector<16xf32>,
      tpu.vector_store %arg11[%swap3A_126, %swap3A_127, %swap3A_128], %broadcast_in_dim3A_26 {strides = array<i32>} : memref<64x16x64xf32, #tpu.memory_space<vmem>>, vector<16xf32>,
      %swap3A_130 = arith.constant 3 : i32
      %swap3A_131 = arith.index_cast %add3A_67 : i32 to index
      %swap3A_132 = arith.index_cast %swap3A_130 : i32 to index
      %swap3A_133 = arith.constant 0 : index
      %swap3A_134 = tpu.vector_load %arg11[%swap3A_131, %swap3A_132, %swap3A_133] {strides = array<i32>} : memref<64x16x64xf32, #tpu.memory_space<vmem>>, vector<16xf32>,
      tpu.vector_store %arg11[%swap3A_131, %swap3A_132, %swap3A_133], %broadcast_in_dim3A_26 {strides = array<i32>} : memref<64x16x64xf32, #tpu.memory_space<vmem>>, vector<16xf32>,
      %swap3A_135 = arith.constant 3 : i32
      %swap3A_136 = arith.index_cast %add3A_67 : i32 to index
      %swap3A_137 = arith.index_cast %swap3A_135 : i32 to index
      %swap3A_138 = arith.constant 16 : index
      %swap3A_139 = tpu.vector_load %arg11[%swap3A_136, %swap3A_137, %swap3A_138] {strides = array<i32>} : memref<64x16x64xf32, #tpu.memory_space<vmem>>, vector<16xf32>,
      tpu.vector_store %arg11[%swap3A_136, %swap3A_137, %swap3A_138], %broadcast_in_dim3A_26 {strides = array<i32>} : memref<64x16x64xf32, #tpu.memory_space<vmem>>, vector<16xf32>,
      %swap3A_140 = arith.constant 3 : i32
      %swap3A_141 = arith.index_cast %add3A_67 : i32 to index
      %swap3A_142 = arith.index_cast %swap3A_140 : i32 to index
      %swap3A_143 = arith.constant 32 : index
      %swap3A_144 = tpu.vector_load %arg11[%swap3A_141, %swap3A_142, %swap3A_143] {strides = array<i32>} : memref<64x16x64xf32, #tpu.memory_space<vmem>>, vector<16xf32>,
      tpu.vector_store %arg11[%swap3A_141, %swap3A_142, %swap3A_143], %broadcast_in_dim3A_26 {strides = array<i32>} : memref<64x16x64xf32, #tpu.memory_space<vmem>>, vector<16xf32>,
      %swap3A_145 = arith.constant 3 : i32
      %swap3A_146 = arith.index_cast %add3A_67 : i32 to index
      %swap3A_147 = arith.index_cast %swap3A_145 : i32 to index
      %swap3A_148 = arith.constant 48 : index
      %swap3A_149 = tpu.vector_load %arg11[%swap3A_146, %swap3A_147, %swap3A_148] {strides = array<i32>} : memref<64x16x64xf32, #tpu.memory_space<vmem>>, vector<16xf32>,
      tpu.vector_store %arg11[%swap3A_146, %swap3A_147, %swap3A_148], %broadcast_in_dim3A_26 {strides = array<i32>} : memref<64x16x64xf32, #tpu.memory_space<vmem>>, vector<16xf32>,
      %swap3A_150 = arith.constant 4 : i32
      %swap3A_151 = arith.index_cast %add3A_67 : i32 to index
      %swap3A_152 = arith.index_cast %swap3A_150 : i32 to index
      %swap3A_153 = arith.constant 0 : index
      %swap3A_154 = tpu.vector_load %arg11[%swap3A_151, %swap3A_152, %swap3A_153] {strides = array<i32>} : memref<64x16x64xf32, #tpu.memory_space<vmem>>, vector<16xf32>,
      tpu.vector_store %arg11[%swap3A_151, %swap3A_152, %swap3A_153], %broadcast_in_dim3A_26 {strides = array<i32>} : memref<64x16x64xf32, #tpu.memory_space<vmem>>, vector<16xf32>,
      %swap3A_155 = arith.constant 4 : i32
      %swap3A_156 = arith.index_cast %add3A_67 : i32 to index
      %swap3A_157 = arith.index_cast %swap3A_155 : i32 to index
      %swap3A_158 = arith.constant 16 : index
      %swap3A_159 = tpu.vector_load %arg11[%swap3A_156, %swap3A_157, %swap3A_158] {strides = array<i32>} : memref<64x16x64xf32, #tpu.memory_space<vmem>>, vector<16xf32>,
      tpu.vector_store %arg11[%swap3A_156, %swap3A_157, %swap3A_158], %broadcast_in_dim3A_26 {strides = array<i32>} : memref<64x16x64xf32, #tpu.memory_space<vmem>>, vector<16xf32>,
      %swap3A_160 = arith.constant 4 : i32
      %swap3A_161 = arith.index_cast %add3A_67 : i32 to index
      %swap3A_162 = arith.index_cast %swap3A_160 : i32 to index
      %swap3A_163 = arith.constant 32 : index
      %swap3A_164 = tpu.vector_load %arg11[%swap3A_161, %swap3A_162, %swap3A_163] {strides = array<i32>} : memref<64x16x64xf32, #tpu.memory_space<vmem>>, vector<16xf32>,
      tpu.vector_store %arg11[%swap3A_161, %swap3A_162, %swap3A_163], %broadcast_in_dim3A_26 {strides = array<i32>} : memref<64x16x64xf32, #tpu.memory_space<vmem>>, vector<16xf32>,
      %swap3A_165 = arith.constant 4 : i32
      %swap3A_166 = arith.index_cast %add3A_67 : i32 to index
      %swap3A_167 = arith.index_cast %swap3A_165 : i32 to index
      %swap3A_168 = arith.constant 48 : index
      %swap3A_169 = tpu.vector_load %arg11[%swap3A_166, %swap3A_167, %swap3A_168] {strides = array<i32>} : memref<64x16x64xf32, #tpu.memory_space<vmem>>, vector<16xf32>,
      tpu.vector_store %arg11[%swap3A_166, %swap3A_167, %swap3A_168], %broadcast_in_dim3A_26 {strides = array<i32>} : memref<64x16x64xf32, #tpu.memory_space<vmem>>, vector<16xf32>,
      %swap3A_170 = arith.constant 5 : i32
      %swap3A_171 = arith.index_cast %add3A_67 : i32 to index
      %swap3A_172 = arith.index_cast %swap3A_170 : i32 to index
      %swap3A_173 = arith.constant 0 : index
      %swap3A_174 = tpu.vector_load %arg11[%swap3A_171, %swap3A_172, %swap3A_173] {strides = array<i32>} : memref<64x16x64xf32, #tpu.memory_space<vmem>>, vector<16xf32>,
      tpu.vector_store %arg11[%swap3A_171, %swap3A_172, %swap3A_173], %broadcast_in_dim3A_26 {strides = array<i32>} : memref<64x16x64xf32, #tpu.memory_space<vmem>>, vector<16xf32>,
      %swap3A_175 = arith.constant 5 : i32
      %swap3A_176 = arith.index_cast %add3A_67 : i32 to index
      %swap3A_177 = arith.index_cast %swap3A_175 : i32 to index
      %swap3A_178 = arith.constant 16 : index
      %swap3A_179 = tpu.vector_load %arg11[%swap3A_176, %swap3A_177, %swap3A_178] {strides = array<i32>} : memref<64x16x64xf32, #tpu.memory_space<vmem>>, vector<16xf32>,
      tpu.vector_store %arg11[%swap3A_176, %swap3A_177, %swap3A_178], %broadcast_in_dim3A_26 {strides = array<i32>} : memref<64x16x64xf32, #tpu.memory_space<vmem>>, vector<16xf32>,
      %swap3A_180 = arith.constant 5 : i32
      %swap3A_181 = arith.index_cast %add3A_67 : i32 to index
      %swap3A_182 = arith.index_cast %swap3A_180 : i32 to index
      %swap3A_183 = arith.constant 32 : index
      %swap3A_184 = tpu.vector_load %arg11[%swap3A_181, %swap3A_182, %swap3A_183] {strides = array<i32>} : memref<64x16x64xf32, #tpu.memory_space<vmem>>, vector<16xf32>,
      tpu.vector_store %arg11[%swap3A_181, %swap3A_182, %swap3A_183], %broadcast_in_dim3A_26 {strides = array<i32>} : memref<64x16x64xf32, #tpu.memory_space<vmem>>, vector<16xf32>,
      %swap3A_185 = arith.constant 5 : i32
      %swap3A_186 = arith.index_cast %add3A_67 : i32 to index
      %swap3A_187 = arith.index_cast %swap3A_185 : i32 to index
      %swap3A_188 = arith.constant 48 : index
      %swap3A_189 = tpu.vector_load %arg11[%swap3A_186, %swap3A_187, %swap3A_188] {strides = array<i32>} : memref<64x16x64xf32, #tpu.memory_space<vmem>>, vector<16xf32>,
      tpu.vector_store %arg11[%swap3A_186, %swap3A_187, %swap3A_188], %broadcast_in_dim3A_26 {strides = array<i32>} : memref<64x16x64xf32, #tpu.memory_space<vmem>>, vector<16xf32>,
      %swap3A_190 = arith.constant 6 : i32
      %swap3A_191 = arith.index_cast %add3A_67 : i32 to index
      %swap3A_192 = arith.index_cast %swap3A_190 : i32 to index
      %swap3A_193 = arith.constant 0 : index
      %swap3A_194 = tpu.vector_load %arg11[%swap3A_191, %swap3A_192, %swap3A_193] {strides = array<i32>} : memref<64x16x64xf32, #tpu.memory_space<vmem>>, vector<16xf32>,
      tpu.vector_store %arg11[%swap3A_191, %swap3A_192, %swap3A_193], %broadcast_in_dim3A_26 {strides = array<i32>} : memref<64x16x64xf32, #tpu.memory_space<vmem>>, vector<16xf32>,
      %swap3A_195 = arith.constant 6 : i32
      %swap3A_196 = arith.index_cast %add3A_67 : i32 to index
      %swap3A_197 = arith.index_cast %swap3A_195 : i32 to index
      %swap3A_198 = arith.constant 16 : index
      %swap3A_199 = tpu.vector_load %arg11[%swap3A_196, %swap3A_197, %swap3A_198] {strides = array<i32>} : memref<64x16x64xf32, #tpu.memory_space<vmem>>, vector<16xf32>,
      tpu.vector_store %arg11[%swap3A_196, %swap3A_197, %swap3A_198], %broadcast_in_dim3A_26 {strides = array<i32>} : memref<64x16x64xf32, #tpu.memory_space<vmem>>, vector<16xf32>,
      %swap3A_200 = arith.constant 6 : i32
      %swap3A_201 = arith.index_cast %add3A_67 : i32 to index
      %swap3A_202 = arith.index_cast %swap3A_200 : i32 to index
      %swap3A_203 = arith.constant 32 : index
      %swap3A_204 = tpu.vector_load %arg11[%swap3A_201, %swap3A_202, %swap3A_203] {strides = array<i32>} : memref<64x16x64xf32, #tpu.memory_space<vmem>>, vector<16xf32>,
      tpu.vector_store %arg11[%swap3A_201, %swap3A_202, %swap3A_203], %broadcast_in_dim3A_26 {strides = array<i32>} : memref<64x16x64xf32, #tpu.memory_space<vmem>>, vector<16xf32>,
      %swap3A_205 = arith.constant 6 : i32
      %swap3A_206 = arith.index_cast %add3A_67 : i32 to index
      %swap3A_207 = arith.index_cast %swap3A_205 : i32 to index
      %swap3A_208 = arith.constant 48 : index
      %swap3A_209 = tpu.vector_load %arg11[%swap3A_206, %swap3A_207, %swap3A_208] {strides = array<i32>} : memref<64x16x64xf32, #tpu.memory_space<vmem>>, vector<16xf32>,
      tpu.vector_store %arg11[%swap3A_206, %swap3A_207, %swap3A_208], %broadcast_in_dim3A_26 {strides = array<i32>} : memref<64x16x64xf32, #tpu.memory_space<vmem>>, vector<16xf32>,
      %swap3A_210 = arith.constant 7 : i32
      %swap3A_211 = arith.index_cast %add3A_67 : i32 to index
      %swap3A_212 = arith.index_cast %swap3A_210 : i32 to index
      %swap3A_213 = arith.constant 0 : index
      %swap3A_214 = tpu.vector_load %arg11[%swap3A_211, %swap3A_212, %swap3A_213] {strides = array<i32>} : memref<64x16x64xf32, #tpu.memory_space<vmem>>, vector<16xf32>,
      tpu.vector_store %arg11[%swap3A_211, %swap3A_212, %swap3A_213], %broadcast_in_dim3A_26 {strides = array<i32>} : memref<64x16x64xf32, #tpu.memory_space<vmem>>, vector<16xf32>,
      %swap3A_215 = arith.constant 7 : i32
      %swap3A_216 = arith.index_cast %add3A_67 : i32 to index
      %swap3A_217 = arith.index_cast %swap3A_215 : i32 to index
      %swap3A_218 = arith.constant 16 : index
      %swap3A_219 = tpu.vector_load %arg11[%swap3A_216, %swap3A_217, %swap3A_218] {strides = array<i32>} : memref<64x16x64xf32, #tpu.memory_space<vmem>>, vector<16xf32>,
      tpu.vector_store %arg11[%swap3A_216, %swap3A_217, %swap3A_218], %broadcast_in_dim3A_26 {strides = array<i32>} : memref<64x16x64xf32, #tpu.memory_space<vmem>>, vector<16xf32>,
      %swap3A_220 = arith.constant 7 : i32
      %swap3A_221 = arith.index_cast %add3A_67 : i32 to index
      %swap3A_222 = arith.index_cast %swap3A_220 : i32 to index
      %swap3A_223 = arith.constant 32 : index
      %swap3A_224 = tpu.vector_load %arg11[%swap3A_221, %swap3A_222, %swap3A_223] {strides = array<i32>} : memref<64x16x64xf32, #tpu.memory_space<vmem>>, vector<16xf32>,
      tpu.vector_store %arg11[%swap3A_221, %swap3A_222, %swap3A_223], %broadcast_in_dim3A_26 {strides = array<i32>} : memref<64x16x64xf32, #tpu.memory_space<vmem>>, vector<16xf32>,
      %swap3A_225 = arith.constant 7 : i32
      %swap3A_226 = arith.index_cast %add3A_67 : i32 to index
      %swap3A_227 = arith.index_cast %swap3A_225 : i32 to index
      %swap3A_228 = arith.constant 48 : index
      %swap3A_229 = tpu.vector_load %arg11[%swap3A_226, %swap3A_227, %swap3A_228] {strides = array<i32>} : memref<64x16x64xf32, #tpu.memory_space<vmem>>, vector<16xf32>,
      tpu.vector_store %arg11[%swap3A_226, %swap3A_227, %swap3A_228], %broadcast_in_dim3A_26 {strides = array<i32>} : memref<64x16x64xf32, #tpu.memory_space<vmem>>, vector<16xf32>,
      %swap3A_230 = arith.constant 8 : i32
      %swap3A_231 = arith.index_cast %add3A_67 : i32 to index
      %swap3A_232 = arith.index_cast %swap3A_230 : i32 to index
      %swap3A_233 = arith.constant 0 : index
      %swap3A_234 = tpu.vector_load %arg11[%swap3A_231, %swap3A_232, %swap3A_233] {strides = array<i32>} : memref<64x16x64xf32, #tpu.memory_space<vmem>>, vector<16xf32>,
      tpu.vector_store %arg11[%swap3A_231, %swap3A_232, %swap3A_233], %broadcast_in_dim3A_26 {strides = array<i32>} : memref<64x16x64xf32, #tpu.memory_space<vmem>>, vector<16xf32>,
      %swap3A_235 = arith.constant 8 : i32
      %swap3A_236 = arith.index_cast %add3A_67 : i32 to index
      %swap3A_237 = arith.index_cast %swap3A_235 : i32 to index
      %swap3A_238 = arith.constant 16 : index
      %swap3A_239 = tpu.vector_load %arg11[%swap3A_236, %swap3A_237, %swap3A_238] {strides = array<i32>} : memref<64x16x64xf32, #tpu.memory_space<vmem>>, vector<16xf32>,
      tpu.vector_store %arg11[%swap3A_236, %swap3A_237, %swap3A_238], %broadcast_in_dim3A_26 {strides = array<i32>} : memref<64x16x64xf32, #tpu.memory_space<vmem>>, vector<16xf32>,
      %swap3A_240 = arith.constant 8 : i32
      %swap3A_241 = arith.index_cast %add3A_67 : i32 to index
      %swap3A_242 = arith.index_cast %swap3A_240 : i32 to index
      %swap3A_243 = arith.constant 32 : index
      %swap3A_244 = tpu.vector_load %arg11[%swap3A_241, %swap3A_242, %swap3A_243] {strides = array<i32>} : memref<64x16x64xf32, #tpu.memory_space<vmem>>, vector<16xf32>,
      tpu.vector_store %arg11[%swap3A_241, %swap3A_242, %swap3A_243], %broadcast_in_dim3A_26 {strides = array<i32>} : memref<64x16x64xf32, #tpu.memory_space<vmem>>, vector<16xf32>,
      %swap3A_245 = arith.constant 8 : i32
      %swap3A_246 = arith.index_cast %add3A_67 : i32 to index
      %swap3A_247 = arith.index_cast %swap3A_245 : i32 to index
      %swap3A_248 = arith.constant 48 : index
      %swap3A_249 = tpu.vector_load %arg11[%swap3A_246, %swap3A_247, %swap3A_248] {strides = array<i32>} : memref<64x16x64xf32, #tpu.memory_space<vmem>>, vector<16xf32>,
      tpu.vector_store %arg11[%swap3A_246, %swap3A_247, %swap3A_248], %broadcast_in_dim3A_26 {strides = array<i32>} : memref<64x16x64xf32, #tpu.memory_space<vmem>>, vector<16xf32>,
      %swap3A_250 = arith.constant 9 : i32
      %swap3A_251 = arith.index_cast %add3A_67 : i32 to index
      %swap3A_252 = arith.index_cast %swap3A_250 : i32 to index
      %swap3A_253 = arith.constant 0 : index
      %swap3A_254 = tpu.vector_load %arg11[%swap3A_251, %swap3A_252, %swap3A_253] {strides = array<i32>} : memref<64x16x64xf32, #tpu.memory_space<vmem>>, vector<16xf32>,
      tpu.vector_store %arg11[%swap3A_251, %swap3A_252, %swap3A_253], %broadcast_in_dim3A_26 {strides = array<i32>} : memref<64x16x64xf32, #tpu.memory_space<vmem>>, vector<16xf32>,
      %swap3A_255 = arith.constant 9 : i32
      %swap3A_256 = arith.index_cast %add3A_67 : i32 to index
      %swap3A_257 = arith.index_cast %swap3A_255 : i32 to index
      %swap3A_258 = arith.constant 16 : index
      %swap3A_259 = tpu.vector_load %arg11[%swap3A_256, %swap3A_257, %swap3A_258] {strides = array<i32>} : memref<64x16x64xf32, #tpu.memory_space<vmem>>, vector<16xf32>,
      tpu.vector_store %arg11[%swap3A_256, %swap3A_257, %swap3A_258], %broadcast_in_dim3A_26 {strides = array<i32>} : memref<64x16x64xf32, #tpu.memory_space<vmem>>, vector<16xf32>,
      %swap3A_260 = arith.constant 9 : i32
      %swap3A_261 = arith.index_cast %add3A_67 : i32 to index
      %swap3A_262 = arith.index_cast %swap3A_260 : i32 to index
      %swap3A_263 = arith.constant 32 : index
      %swap3A_264 = tpu.vector_load %arg11[%swap3A_261, %swap3A_262, %swap3A_263] {strides = array<i32>} : memref<64x16x64xf32, #tpu.memory_space<vmem>>, vector<16xf32>,
      tpu.vector_store %arg11[%swap3A_261, %swap3A_262, %swap3A_263], %broadcast_in_dim3A_26 {strides = array<i32>} : memref<64x16x64xf32, #tpu.memory_space<vmem>>, vector<16xf32>,
      %swap3A_265 = arith.constant 9 : i32
      %swap3A_266 = arith.index_cast %add3A_67 : i32 to index
      %swap3A_267 = arith.index_cast %swap3A_265 : i32 to index
      %swap3A_268 = arith.constant 48 : index
      %swap3A_269 = tpu.vector_load %arg11[%swap3A_266, %swap3A_267, %swap3A_268] {strides = array<i32>} : memref<64x16x64xf32, #tpu.memory_space<vmem>>, vector<16xf32>,
      tpu.vector_store %arg11[%swap3A_266, %swap3A_267, %swap3A_268], %broadcast_in_dim3A_26 {strides = array<i32>} : memref<64x16x64xf32, #tpu.memory_space<vmem>>, vector<16xf32>,
      %swap3A_270 = arith.constant 10 : i32
      %swap3A_271 = arith.index_cast %add3A_67 : i32 to index
      %swap3A_272 = arith.index_cast %swap3A_270 : i32 to index
      %swap3A_273 = arith.constant 0 : index
      %swap3A_274 = tpu.vector_load %arg11[%swap3A_271, %swap3A_272, %swap3A_273] {strides = array<i32>} : memref<64x16x64xf32, #tpu.memory_space<vmem>>, vector<16xf32>,
      tpu.vector_store %arg11[%swap3A_271, %swap3A_272, %swap3A_273], %broadcast_in_dim3A_26 {strides = array<i32>} : memref<64x16x64xf32, #tpu.memory_space<vmem>>, vector<16xf32>,
      %swap3A_275 = arith.constant 10 : i32
      %swap3A_276 = arith.index_cast %add3A_67 : i32 to index
      %swap3A_277 = arith.index_cast %swap3A_275 : i32 to index
      %swap3A_278 = arith.constant 16 : index
      %swap3A_279 = tpu.vector_load %arg11[%swap3A_276, %swap3A_277, %swap3A_278] {strides = array<i32>} : memref<64x16x64xf32, #tpu.memory_space<vmem>>, vector<16xf32>,
      tpu.vector_store %arg11[%swap3A_276, %swap3A_277, %swap3A_278], %broadcast_in_dim3A_26 {strides = array<i32>} : memref<64x16x64xf32, #tpu.memory_space<vmem>>, vector<16xf32>,
      %swap3A_280 = arith.constant 10 : i32
      %swap3A_281 = arith.index_cast %add3A_67 : i32 to index
      %swap3A_282 = arith.index_cast %swap3A_280 : i32 to index
      %swap3A_283 = arith.constant 32 : index
      %swap3A_284 = tpu.vector_load %arg11[%swap3A_281, %swap3A_282, %swap3A_283] {strides = array<i32>} : memref<64x16x64xf32, #tpu.memory_space<vmem>>, vector<16xf32>,
      tpu.vector_store %arg11[%swap3A_281, %swap3A_282, %swap3A_283], %broadcast_in_dim3A_26 {strides = array<i32>} : memref<64x16x64xf32, #tpu.memory_space<vmem>>, vector<16xf32>,
      %swap3A_285 = arith.constant 10 : i32
      %swap3A_286 = arith.index_cast %add3A_67 : i32 to index
      %swap3A_287 = arith.index_cast %swap3A_285 : i32 to index
      %swap3A_288 = arith.constant 48 : index
      %swap3A_289 = tpu.vector_load %arg11[%swap3A_286, %swap3A_287, %swap3A_288] {strides = array<i32>} : memref<64x16x64xf32, #tpu.memory_space<vmem>>, vector<16xf32>,
      tpu.vector_store %arg11[%swap3A_286, %swap3A_287, %swap3A_288], %broadcast_in_dim3A_26 {strides = array<i32>} : memref<64x16x64xf32, #tpu.memory_space<vmem>>, vector<16xf32>,
      %swap3A_290 = arith.constant 11 : i32
      %swap3A_291 = arith.index_cast %add3A_67 : i32 to index
      %swap3A_292 = arith.index_cast %swap3A_290 : i32 to index
      %swap3A_293 = arith.constant 0 : index
      %swap3A_294 = tpu.vector_load %arg11[%swap3A_291, %swap3A_292, %swap3A_293] {strides = array<i32>} : memref<64x16x64xf32, #tpu.memory_space<vmem>>, vector<16xf32>,
      tpu.vector_store %arg11[%swap3A_291, %swap3A_292, %swap3A_293], %broadcast_in_dim3A_26 {strides = array<i32>} : memref<64x16x64xf32, #tpu.memory_space<vmem>>, vector<16xf32>,
      %swap3A_295 = arith.constant 11 : i32
      %swap3A_296 = arith.index_cast %add3A_67 : i32 to index
      %swap3A_297 = arith.index_cast %swap3A_295 : i32 to index
      %swap3A_298 = arith.constant 16 : index
      %swap3A_299 = tpu.vector_load %arg11[%swap3A_296, %swap3A_297, %swap3A_298] {strides = array<i32>} : memref<64x16x64xf32, #tpu.memory_space<vmem>>, vector<16xf32>,
      tpu.vector_store %arg11[%swap3A_296, %swap3A_297, %swap3A_298], %broadcast_in_dim3A_26 {strides = array<i32>} : memref<64x16x64xf32, #tpu.memory_space<vmem>>, vector<16xf32>,
      %swap3A_300 = arith.constant 11 : i32
      %swap3A_301 = arith.index_cast %add3A_67 : i32 to index
      %swap3A_302 = arith.index_cast %swap3A_300 : i32 to index
      %swap3A_303 = arith.constant 32 : index
      %swap3A_304 = tpu.vector_load %arg11[%swap3A_301, %swap3A_302, %swap3A_303] {strides = array<i32>} : memref<64x16x64xf32, #tpu.memory_space<vmem>>, vector<16xf32>,
      tpu.vector_store %arg11[%swap3A_301, %swap3A_302, %swap3A_303], %broadcast_in_dim3A_26 {strides = array<i32>} : memref<64x16x64xf32, #tpu.memory_space<vmem>>, vector<16xf32>,
      %swap3A_305 = arith.constant 11 : i32
      %swap3A_306 = arith.index_cast %add3A_67 : i32 to index
      %swap3A_307 = arith.index_cast %swap3A_305 : i32 to index
      %swap3A_308 = arith.constant 48 : index
      %swap3A_309 = tpu.vector_load %arg11[%swap3A_306, %swap3A_307, %swap3A_308] {strides = array<i32>} : memref<64x16x64xf32, #tpu.memory_space<vmem>>, vector<16xf32>,
      tpu.vector_store %arg11[%swap3A_306, %swap3A_307, %swap3A_308], %broadcast_in_dim3A_26 {strides = array<i32>} : memref<64x16x64xf32, #tpu.memory_space<vmem>>, vector<16xf32>,
      %swap3A_310 = arith.constant 12 : i32
      %swap3A_311 = arith.index_cast %add3A_67 : i32 to index
      %swap3A_312 = arith.index_cast %swap3A_310 : i32 to index
      %swap3A_313 = arith.constant 0 : index
      %swap3A_314 = tpu.vector_load %arg11[%swap3A_311, %swap3A_312, %swap3A_313] {strides = array<i32>} : memref<64x16x64xf32, #tpu.memory_space<vmem>>, vector<16xf32>,
      tpu.vector_store %arg11[%swap3A_311, %swap3A_312, %swap3A_313], %broadcast_in_dim3A_26 {strides = array<i32>} : memref<64x16x64xf32, #tpu.memory_space<vmem>>, vector<16xf32>,
      %swap3A_315 = arith.constant 12 : i32
      %swap3A_316 = arith.index_cast %add3A_67 : i32 to index
      %swap3A_317 = arith.index_cast %swap3A_315 : i32 to index
      %swap3A_318 = arith.constant 16 : index
      %swap3A_319 = tpu.vector_load %arg11[%swap3A_316, %swap3A_317, %swap3A_318] {strides = array<i32>} : memref<64x16x64xf32, #tpu.memory_space<vmem>>, vector<16xf32>,
      tpu.vector_store %arg11[%swap3A_316, %swap3A_317, %swap3A_318], %broadcast_in_dim3A_26 {strides = array<i32>} : memref<64x16x64xf32, #tpu.memory_space<vmem>>, vector<16xf32>,
      %swap3A_320 = arith.constant 12 : i32
      %swap3A_321 = arith.index_cast %add3A_67 : i32 to index
      %swap3A_322 = arith.index_cast %swap3A_320 : i32 to index
      %swap3A_323 = arith.constant 32 : index
      %swap3A_324 = tpu.vector_load %arg11[%swap3A_321, %swap3A_322, %swap3A_323] {strides = array<i32>} : memref<64x16x64xf32, #tpu.memory_space<vmem>>, vector<16xf32>,
      tpu.vector_store %arg11[%swap3A_321, %swap3A_322, %swap3A_323], %broadcast_in_dim3A_26 {strides = array<i32>} : memref<64x16x64xf32, #tpu.memory_space<vmem>>, vector<16xf32>,
      %swap3A_325 = arith.constant 12 : i32
      %swap3A_326 = arith.index_cast %add3A_67 : i32 to index
      %swap3A_327 = arith.index_cast %swap3A_325 : i32 to index
      %swap3A_328 = arith.constant 48 : index
      %swap3A_329 = tpu.vector_load %arg11[%swap3A_326, %swap3A_327, %swap3A_328] {strides = array<i32>} : memref<64x16x64xf32, #tpu.memory_space<vmem>>, vector<16xf32>,
      tpu.vector_store %arg11[%swap3A_326, %swap3A_327, %swap3A_328], %broadcast_in_dim3A_26 {strides = array<i32>} : memref<64x16x64xf32, #tpu.memory_space<vmem>>, vector<16xf32>,
      %swap3A_330 = arith.constant 13 : i32
      %swap3A_331 = arith.index_cast %add3A_67 : i32 to index
      %swap3A_332 = arith.index_cast %swap3A_330 : i32 to index
      %swap3A_333 = arith.constant 0 : index
      %swap3A_334 = tpu.vector_load %arg11[%swap3A_331, %swap3A_332, %swap3A_333] {strides = array<i32>} : memref<64x16x64xf32, #tpu.memory_space<vmem>>, vector<16xf32>,
      tpu.vector_store %arg11[%swap3A_331, %swap3A_332, %swap3A_333], %broadcast_in_dim3A_26 {strides = array<i32>} : memref<64x16x64xf32, #tpu.memory_space<vmem>>, vector<16xf32>,
      %swap3A_335 = arith.constant 13 : i32
      %swap3A_336 = arith.index_cast %add3A_67 : i32 to index
      %swap3A_337 = arith.index_cast %swap3A_335 : i32 to index
      %swap3A_338 = arith.constant 16 : index
      %swap3A_339 = tpu.vector_load %arg11[%swap3A_336, %swap3A_337, %swap3A_338] {strides = array<i32>} : memref<64x16x64xf32, #tpu.memory_space<vmem>>, vector<16xf32>,
      tpu.vector_store %arg11[%swap3A_336, %swap3A_337, %swap3A_338], %broadcast_in_dim3A_26 {strides = array<i32>} : memref<64x16x64xf32, #tpu.memory_space<vmem>>, vector<16xf32>,
      %swap3A_340 = arith.constant 13 : i32
      %swap3A_341 = arith.index_cast %add3A_67 : i32 to index
      %swap3A_342 = arith.index_cast %swap3A_340 : i32 to index
      %swap3A_343 = arith.constant 32 : index
      %swap3A_344 = tpu.vector_load %arg11[%swap3A_341, %swap3A_342, %swap3A_343] {strides = array<i32>} : memref<64x16x64xf32, #tpu.memory_space<vmem>>, vector<16xf32>,
      tpu.vector_store %arg11[%swap3A_341, %swap3A_342, %swap3A_343], %broadcast_in_dim3A_26 {strides = array<i32>} : memref<64x16x64xf32, #tpu.memory_space<vmem>>, vector<16xf32>,
      %swap3A_345 = arith.constant 13 : i32
      %swap3A_346 = arith.index_cast %add3A_67 : i32 to index
      %swap3A_347 = arith.index_cast %swap3A_345 : i32 to index
      %swap3A_348 = arith.constant 48 : index
      %swap3A_349 = tpu.vector_load %arg11[%swap3A_346, %swap3A_347, %swap3A_348] {strides = array<i32>} : memref<64x16x64xf32, #tpu.memory_space<vmem>>, vector<16xf32>,
      tpu.vector_store %arg11[%swap3A_346, %swap3A_347, %swap3A_348], %broadcast_in_dim3A_26 {strides = array<i32>} : memref<64x16x64xf32, #tpu.memory_space<vmem>>, vector<16xf32>,
      %swap3A_350 = arith.constant 14 : i32
      %swap3A_351 = arith.index_cast %add3A_67 : i32 to index
      %swap3A_352 = arith.index_cast %swap3A_350 : i32 to index
      %swap3A_353 = arith.constant 0 : index
      %swap3A_354 = tpu.vector_load %arg11[%swap3A_351, %swap3A_352, %swap3A_353] {strides = array<i32>} : memref<64x16x64xf32, #tpu.memory_space<vmem>>, vector<16xf32>,
      tpu.vector_store %arg11[%swap3A_351, %swap3A_352, %swap3A_353], %broadcast_in_dim3A_26 {strides = array<i32>} : memref<64x16x64xf32, #tpu.memory_space<vmem>>, vector<16xf32>,
      %swap3A_355 = arith.constant 14 : i32
      %swap3A_356 = arith.index_cast %add3A_67 : i32 to index
      %swap3A_357 = arith.index_cast %swap3A_355 : i32 to index
      %swap3A_358 = arith.constant 16 : index
      %swap3A_359 = tpu.vector_load %arg11[%swap3A_356, %swap3A_357, %swap3A_358] {strides = array<i32>} : memref<64x16x64xf32, #tpu.memory_space<vmem>>, vector<16xf32>,
      tpu.vector_store %arg11[%swap3A_356, %swap3A_357, %swap3A_358], %broadcast_in_dim3A_26 {strides = array<i32>} : memref<64x16x64xf32, #tpu.memory_space<vmem>>, vector<16xf32>,
      %swap3A_360 = arith.constant 14 : i32
      %swap3A_361 = arith.index_cast %add3A_67 : i32 to index
      %swap3A_362 = arith.index_cast %swap3A_360 : i32 to index
      %swap3A_363 = arith.constant 32 : index
      %swap3A_364 = tpu.vector_load %arg11[%swap3A_361, %swap3A_362, %swap3A_363] {strides = array<i32>} : memref<64x16x64xf32, #tpu.memory_space<vmem>>, vector<16xf32>,
      tpu.vector_store %arg11[%swap3A_361, %swap3A_362, %swap3A_363], %broadcast_in_dim3A_26 {strides = array<i32>} : memref<64x16x64xf32, #tpu.memory_space<vmem>>, vector<16xf32>,
      %swap3A_365 = arith.constant 14 : i32
      %swap3A_366 = arith.index_cast %add3A_67 : i32 to index
      %swap3A_367 = arith.index_cast %swap3A_365 : i32 to index
      %swap3A_368 = arith.constant 48 : index
      %swap3A_369 = tpu.vector_load %arg11[%swap3A_366, %swap3A_367, %swap3A_368] {strides = array<i32>} : memref<64x16x64xf32, #tpu.memory_space<vmem>>, vector<16xf32>,
      tpu.vector_store %arg11[%swap3A_366, %swap3A_367, %swap3A_368], %broadcast_in_dim3A_26 {strides = array<i32>} : memref<64x16x64xf32, #tpu.memory_space<vmem>>, vector<16xf32>,
      %swap3A_370 = arith.constant 15 : i32
      %swap3A_371 = arith.index_cast %add3A_67 : i32 to index
      %swap3A_372 = arith.index_cast %swap3A_370 : i32 to index
      %swap3A_373 = arith.constant 0 : index
      %swap3A_374 = tpu.vector_load %arg11[%swap3A_371, %swap3A_372, %swap3A_373] {strides = array<i32>} : memref<64x16x64xf32, #tpu.memory_space<vmem>>, vector<16xf32>,
      tpu.vector_store %arg11[%swap3A_371, %swap3A_372, %swap3A_373], %broadcast_in_dim3A_26 {strides = array<i32>} : memref<64x16x64xf32, #tpu.memory_space<vmem>>, vector<16xf32>,
      %swap3A_375 = arith.constant 15 : i32
      %swap3A_376 = arith.index_cast %add3A_67 : i32 to index
      %swap3A_377 = arith.index_cast %swap3A_375 : i32 to index
      %swap3A_378 = arith.constant 16 : index
      %swap3A_379 = tpu.vector_load %arg11[%swap3A_376, %swap3A_377, %swap3A_378] {strides = array<i32>} : memref<64x16x64xf32, #tpu.memory_space<vmem>>, vector<16xf32>,
      tpu.vector_store %arg11[%swap3A_376, %swap3A_377, %swap3A_378], %broadcast_in_dim3A_26 {strides = array<i32>} : memref<64x16x64xf32, #tpu.memory_space<vmem>>, vector<16xf32>,
      %swap3A_380 = arith.constant 15 : i32
      %swap3A_381 = arith.index_cast %add3A_67 : i32 to index
      %swap3A_382 = arith.index_cast %swap3A_380 : i32 to index
      %swap3A_383 = arith.constant 32 : index
      %swap3A_384 = tpu.vector_load %arg11[%swap3A_381, %swap3A_382, %swap3A_383] {strides = array<i32>} : memref<64x16x64xf32, #tpu.memory_space<vmem>>, vector<16xf32>,
      tpu.vector_store %arg11[%swap3A_381, %swap3A_382, %swap3A_383], %broadcast_in_dim3A_26 {strides = array<i32>} : memref<64x16x64xf32, #tpu.memory_space<vmem>>, vector<16xf32>,
      %swap3A_385 = arith.constant 15 : i32
      %swap3A_386 = arith.index_cast %add3A_67 : i32 to index
      %swap3A_387 = arith.index_cast %swap3A_385 : i32 to index
      %swap3A_388 = arith.constant 48 : index
      %swap3A_389 = tpu.vector_load %arg11[%swap3A_386, %swap3A_387, %swap3A_388] {strides = array<i32>} : memref<64x16x64xf32, #tpu.memory_space<vmem>>, vector<16xf32>,
      tpu.vector_store %arg11[%swap3A_386, %swap3A_387, %swap3A_388], %broadcast_in_dim3A_26 {strides = array<i32>} : memref<64x16x64xf32, #tpu.memory_space<vmem>>, vector<16xf32>,
    }
    %scan3A_30 = arith.constant 64 : i32
    %dma_wait3A = tpu.memref_slice %arg2[%mul3A_4] : memref<262144xi32, #tpu.memory_space<hbm>> -> memref<8192xi32, #tpu.memory_space<hbm>>
    %dma_wait3A_31 = tpu.memref_slice %arg2[%mul3A_4] : memref<262144xi32, #tpu.memory_space<hbm>> -> memref<8192xi32, #tpu.memory_space<hbm>>
    tpu.wait_dma2 semaphore(%arg14 : memref<!tpu.dma_semaphore, #tpu.memory_space<semaphore_mem>>) src(%dma_wait3A_31 : memref<8192xi32, #tpu.memory_space<hbm>>) dst(%arg8 : memref<8192xi32, #tpu.memory_space<vmem>>)
    %dma_wait3A_32 = tpu.memref_slice %arg3[%mul3A_9] : memref<262144xf32, #tpu.memory_space<hbm>> -> memref<8192xf32, #tpu.memory_space<hbm>>
    %dma_wait3A_33 = tpu.memref_slice %arg3[%mul3A_9] : memref<262144xf32, #tpu.memory_space<hbm>> -> memref<8192xf32, #tpu.memory_space<hbm>>
    tpu.wait_dma2 semaphore(%arg14 : memref<!tpu.dma_semaphore, #tpu.memory_space<semaphore_mem>>) src(%dma_wait3A_33 : memref<8192xf32, #tpu.memory_space<hbm>>) dst(%arg9 : memref<8192xf32, #tpu.memory_space<vmem>>)
    %dma_wait3A_34 = arith.constant 0 : i32
    %dma_wait3A_35 = tpu.memref_slice %arg4[%mul3A_13, %dma_wait3A_34] : memref<2048x16xi32, #tpu.memory_space<hbm>> -> memref<64x16xi32, #tpu.memory_space<hbm>>
    %dma_wait3A_36 = arith.constant 0 : i32
    %dma_wait3A_37 = tpu.memref_slice %arg4[%mul3A_13, %dma_wait3A_36] : memref<2048x16xi32, #tpu.memory_space<hbm>> -> memref<64x16xi32, #tpu.memory_space<hbm>>
    tpu.wait_dma2 semaphore(%arg14 : memref<!tpu.dma_semaphore, #tpu.memory_space<semaphore_mem>>) src(%dma_wait3A_37 : memref<64x16xi32, #tpu.memory_space<hbm>>) dst(%arg10 : memref<64x16xi32, #tpu.memory_space<vmem>>)
    %dma_wait3A_38 = arith.constant 0 : i32
    %dma_wait3A_39 = tpu.memref_slice %arg13[%mul3A_21, %dma_wait3A_38] : memref<8192x64xf32, #tpu.memory_space<vmem_shared>> -> memref<512x64xf32, #tpu.memory_space<vmem_shared>>
    %dma_wait3A_40 = arith.constant 0 : i32
    %dma_wait3A_41 = tpu.memref_slice %arg5[%mul3A_19, %dma_wait3A_40] : memref<8192x64xf32, #tpu.memory_space<hbm>> -> memref<512x64xf32, #tpu.memory_space<hbm>>
    tpu.wait_dma2 semaphore(%arg14 : memref<!tpu.dma_semaphore, #tpu.memory_space<semaphore_mem>>) src(%dma_wait3A_41 : memref<512x64xf32, #tpu.memory_space<hbm>>) dst(%dma_wait3A_39 : memref<512x64xf32, #tpu.memory_space<vmem_shared>>)
    %barrier3A = arith.constant 0 : index
    tpu.barrier barrier_id(%barrier3A)
    %broadcast_in_dim3A_42 = arith.constant 1.000000e+00 : f32
    %broadcast_in_dim3A_43 = vector.broadcast %broadcast_in_dim3A_42 : f32 to vector<16xf32>
    %iota3A = tpu.iota {dimensions = array<i32: 0>} : vector<16xi32>
    %mul3A_44 = arith.constant 8 : i32
    %mul3A_45 = vector.broadcast %mul3A_44 : i32 to vector<16xi32>
    %mul3A_46 = arith.muli %iota3A, %mul3A_45 : vector<16xi32>
    %iota3A_47 = tpu.iota {dimensions = array<i32: 0>} : vector<16xi32>
    %scan3A_48 = arith.constant 0 : i32
    %scan3A_49 = arith.constant 64 : i32
    %scan3A_50 = arith.addi %scan3A_48, %scan3A_49 : i32
    %scan3A_51 = arith.constant 1 : i32
    scf.for %scan3A_63 = %scan3A_48 to %scan3A_50 step %scan3A_51  : i32 {
      %mul3A_64 = arith.constant 1 : i32
      %mul3A_65 = arith.muli %scan3A_63, %mul3A_64 : i32
      %add3A_66 = arith.constant 0 : i32
      %add3A_67 = arith.addi %add3A_66, %mul3A_65 : i32
      %mul3A_68 = arith.constant 128 : i32
      %mul3A_69 = arith.muli %add3A_67, %mul3A_68 : i32
      %add3A_70 = arith.constant 0 : i32
      %add3A_71 = arith.addi %mul3A_69, %add3A_70 : i32
      %add3A_72 = vector.broadcast %add3A_71 : i32 to vector<16xi32>
      %add3A_73 = arith.addi %mul3A_46, %add3A_72 : vector<16xi32>
      %gather3A = tpu.vector_load_idx %arg8[%add3A_73] : memref<8192xi32, #tpu.memory_space<vmem>>[vector<16xi32>], vector<16xi32>,
      %scatter3A = arith.constant 0 : i32
      %scatter3A_74 = arith.constant 0 : i32
      %scatter3A_75 = tpu.memref_slice %arg11[%add3A_67, %scatter3A, %scatter3A_74] : memref<64x16x64xf32, #tpu.memory_space<vmem>> -> memref<1x16x64xf32, #tpu.memory_space<vmem>>
      %scatter3A_76 = tpu.memref_squeeze %scatter3A_75 : memref<1x16x64xf32, #tpu.memory_space<vmem>> -> memref<16x64xf32, #tpu.memory_space<vmem>>
      tpu.vector_store_idx %scatter3A_76[%iota3A_47, %gather3A], %broadcast_in_dim3A_43 {add = true} : memref<16x64xf32, #tpu.memory_space<vmem>>[vector<16xi32>, vector<16xi32>], vector<16xf32>,
      %gather3A_77 = tpu.vector_load_idx %arg9[%add3A_73] : memref<8192xf32, #tpu.memory_space<vmem>>[vector<16xi32>], vector<16xf32>,
      tpu.vector_store_idx %arg12[%gather3A, %iota3A_47], %gather3A_77 {add = true} : memref<64x16xf32, #tpu.memory_space<vmem>>[vector<16xi32>, vector<16xi32>], vector<16xf32>,
      %add3A_78 = arith.constant 1 : i32
      %add3A_79 = arith.addi %mul3A_69, %add3A_78 : i32
      %add3A_80 = vector.broadcast %add3A_79 : i32 to vector<16xi32>
      %add3A_81 = arith.addi %mul3A_46, %add3A_80 : vector<16xi32>
      %gather3A_82 = tpu.vector_load_idx %arg8[%add3A_81] : memref<8192xi32, #tpu.memory_space<vmem>>[vector<16xi32>], vector<16xi32>,
      %scatter3A_83 = arith.constant 0 : i32
      %scatter3A_84 = arith.constant 0 : i32
      %scatter3A_85 = tpu.memref_slice %arg11[%add3A_67, %scatter3A_83, %scatter3A_84] : memref<64x16x64xf32, #tpu.memory_space<vmem>> -> memref<1x16x64xf32, #tpu.memory_space<vmem>>
      %scatter3A_86 = tpu.memref_squeeze %scatter3A_85 : memref<1x16x64xf32, #tpu.memory_space<vmem>> -> memref<16x64xf32, #tpu.memory_space<vmem>>
      tpu.vector_store_idx %scatter3A_86[%iota3A_47, %gather3A_82], %broadcast_in_dim3A_43 {add = true} : memref<16x64xf32, #tpu.memory_space<vmem>>[vector<16xi32>, vector<16xi32>], vector<16xf32>,
      %gather3A_87 = tpu.vector_load_idx %arg9[%add3A_81] : memref<8192xf32, #tpu.memory_space<vmem>>[vector<16xi32>], vector<16xf32>,
      tpu.vector_store_idx %arg12[%gather3A_82, %iota3A_47], %gather3A_87 {add = true} : memref<64x16xf32, #tpu.memory_space<vmem>>[vector<16xi32>, vector<16xi32>], vector<16xf32>,
      %add3A_88 = arith.constant 2 : i32
      %add3A_89 = arith.addi %mul3A_69, %add3A_88 : i32
      %add3A_90 = vector.broadcast %add3A_89 : i32 to vector<16xi32>
      %add3A_91 = arith.addi %mul3A_46, %add3A_90 : vector<16xi32>
      %gather3A_92 = tpu.vector_load_idx %arg8[%add3A_91] : memref<8192xi32, #tpu.memory_space<vmem>>[vector<16xi32>], vector<16xi32>,
      %scatter3A_93 = arith.constant 0 : i32
      %scatter3A_94 = arith.constant 0 : i32
      %scatter3A_95 = tpu.memref_slice %arg11[%add3A_67, %scatter3A_93, %scatter3A_94] : memref<64x16x64xf32, #tpu.memory_space<vmem>> -> memref<1x16x64xf32, #tpu.memory_space<vmem>>
      %scatter3A_96 = tpu.memref_squeeze %scatter3A_95 : memref<1x16x64xf32, #tpu.memory_space<vmem>> -> memref<16x64xf32, #tpu.memory_space<vmem>>
      tpu.vector_store_idx %scatter3A_96[%iota3A_47, %gather3A_92], %broadcast_in_dim3A_43 {add = true} : memref<16x64xf32, #tpu.memory_space<vmem>>[vector<16xi32>, vector<16xi32>], vector<16xf32>,
      %gather3A_97 = tpu.vector_load_idx %arg9[%add3A_91] : memref<8192xf32, #tpu.memory_space<vmem>>[vector<16xi32>], vector<16xf32>,
      tpu.vector_store_idx %arg12[%gather3A_92, %iota3A_47], %gather3A_97 {add = true} : memref<64x16xf32, #tpu.memory_space<vmem>>[vector<16xi32>, vector<16xi32>], vector<16xf32>,
      %add3A_98 = arith.constant 3 : i32
      %add3A_99 = arith.addi %mul3A_69, %add3A_98 : i32
      %add3A_100 = vector.broadcast %add3A_99 : i32 to vector<16xi32>
      %add3A_101 = arith.addi %mul3A_46, %add3A_100 : vector<16xi32>
      %gather3A_102 = tpu.vector_load_idx %arg8[%add3A_101] : memref<8192xi32, #tpu.memory_space<vmem>>[vector<16xi32>], vector<16xi32>,
      %scatter3A_103 = arith.constant 0 : i32
      %scatter3A_104 = arith.constant 0 : i32
      %scatter3A_105 = tpu.memref_slice %arg11[%add3A_67, %scatter3A_103, %scatter3A_104] : memref<64x16x64xf32, #tpu.memory_space<vmem>> -> memref<1x16x64xf32, #tpu.memory_space<vmem>>
      %scatter3A_106 = tpu.memref_squeeze %scatter3A_105 : memref<1x16x64xf32, #tpu.memory_space<vmem>> -> memref<16x64xf32, #tpu.memory_space<vmem>>
      tpu.vector_store_idx %scatter3A_106[%iota3A_47, %gather3A_102], %broadcast_in_dim3A_43 {add = true} : memref<16x64xf32, #tpu.memory_space<vmem>>[vector<16xi32>, vector<16xi32>], vector<16xf32>,
      %gather3A_107 = tpu.vector_load_idx %arg9[%add3A_101] : memref<8192xf32, #tpu.memory_space<vmem>>[vector<16xi32>], vector<16xf32>,
      tpu.vector_store_idx %arg12[%gather3A_102, %iota3A_47], %gather3A_107 {add = true} : memref<64x16xf32, #tpu.memory_space<vmem>>[vector<16xi32>, vector<16xi32>], vector<16xf32>,
      %add3A_108 = arith.constant 4 : i32
      %add3A_109 = arith.addi %mul3A_69, %add3A_108 : i32
      %add3A_110 = vector.broadcast %add3A_109 : i32 to vector<16xi32>
      %add3A_111 = arith.addi %mul3A_46, %add3A_110 : vector<16xi32>
      %gather3A_112 = tpu.vector_load_idx %arg8[%add3A_111] : memref<8192xi32, #tpu.memory_space<vmem>>[vector<16xi32>], vector<16xi32>,
      %scatter3A_113 = arith.constant 0 : i32
      %scatter3A_114 = arith.constant 0 : i32
      %scatter3A_115 = tpu.memref_slice %arg11[%add3A_67, %scatter3A_113, %scatter3A_114] : memref<64x16x64xf32, #tpu.memory_space<vmem>> -> memref<1x16x64xf32, #tpu.memory_space<vmem>>
      %scatter3A_116 = tpu.memref_squeeze %scatter3A_115 : memref<1x16x64xf32, #tpu.memory_space<vmem>> -> memref<16x64xf32, #tpu.memory_space<vmem>>
      tpu.vector_store_idx %scatter3A_116[%iota3A_47, %gather3A_112], %broadcast_in_dim3A_43 {add = true} : memref<16x64xf32, #tpu.memory_space<vmem>>[vector<16xi32>, vector<16xi32>], vector<16xf32>,
      %gather3A_117 = tpu.vector_load_idx %arg9[%add3A_111] : memref<8192xf32, #tpu.memory_space<vmem>>[vector<16xi32>], vector<16xf32>,
      tpu.vector_store_idx %arg12[%gather3A_112, %iota3A_47], %gather3A_117 {add = true} : memref<64x16xf32, #tpu.memory_space<vmem>>[vector<16xi32>, vector<16xi32>], vector<16xf32>,
      %add3A_118 = arith.constant 5 : i32
      %add3A_119 = arith.addi %mul3A_69, %add3A_118 : i32
      %add3A_120 = vector.broadcast %add3A_119 : i32 to vector<16xi32>
      %add3A_121 = arith.addi %mul3A_46, %add3A_120 : vector<16xi32>
      %gather3A_122 = tpu.vector_load_idx %arg8[%add3A_121] : memref<8192xi32, #tpu.memory_space<vmem>>[vector<16xi32>], vector<16xi32>,
      %scatter3A_123 = arith.constant 0 : i32
      %scatter3A_124 = arith.constant 0 : i32
      %scatter3A_125 = tpu.memref_slice %arg11[%add3A_67, %scatter3A_123, %scatter3A_124] : memref<64x16x64xf32, #tpu.memory_space<vmem>> -> memref<1x16x64xf32, #tpu.memory_space<vmem>>
      %scatter3A_126 = tpu.memref_squeeze %scatter3A_125 : memref<1x16x64xf32, #tpu.memory_space<vmem>> -> memref<16x64xf32, #tpu.memory_space<vmem>>
      tpu.vector_store_idx %scatter3A_126[%iota3A_47, %gather3A_122], %broadcast_in_dim3A_43 {add = true} : memref<16x64xf32, #tpu.memory_space<vmem>>[vector<16xi32>, vector<16xi32>], vector<16xf32>,
      %gather3A_127 = tpu.vector_load_idx %arg9[%add3A_121] : memref<8192xf32, #tpu.memory_space<vmem>>[vector<16xi32>], vector<16xf32>,
      tpu.vector_store_idx %arg12[%gather3A_122, %iota3A_47], %gather3A_127 {add = true} : memref<64x16xf32, #tpu.memory_space<vmem>>[vector<16xi32>, vector<16xi32>], vector<16xf32>,
      %add3A_128 = arith.constant 6 : i32
      %add3A_129 = arith.addi %mul3A_69, %add3A_128 : i32
      %add3A_130 = vector.broadcast %add3A_129 : i32 to vector<16xi32>
      %add3A_131 = arith.addi %mul3A_46, %add3A_130 : vector<16xi32>
      %gather3A_132 = tpu.vector_load_idx %arg8[%add3A_131] : memref<8192xi32, #tpu.memory_space<vmem>>[vector<16xi32>], vector<16xi32>,
      %scatter3A_133 = arith.constant 0 : i32
      %scatter3A_134 = arith.constant 0 : i32
      %scatter3A_135 = tpu.memref_slice %arg11[%add3A_67, %scatter3A_133, %scatter3A_134] : memref<64x16x64xf32, #tpu.memory_space<vmem>> -> memref<1x16x64xf32, #tpu.memory_space<vmem>>
      %scatter3A_136 = tpu.memref_squeeze %scatter3A_135 : memref<1x16x64xf32, #tpu.memory_space<vmem>> -> memref<16x64xf32, #tpu.memory_space<vmem>>
      tpu.vector_store_idx %scatter3A_136[%iota3A_47, %gather3A_132], %broadcast_in_dim3A_43 {add = true} : memref<16x64xf32, #tpu.memory_space<vmem>>[vector<16xi32>, vector<16xi32>], vector<16xf32>,
      %gather3A_137 = tpu.vector_load_idx %arg9[%add3A_131] : memref<8192xf32, #tpu.memory_space<vmem>>[vector<16xi32>], vector<16xf32>,
      tpu.vector_store_idx %arg12[%gather3A_132, %iota3A_47], %gather3A_137 {add = true} : memref<64x16xf32, #tpu.memory_space<vmem>>[vector<16xi32>, vector<16xi32>], vector<16xf32>,
      %add3A_138 = arith.constant 7 : i32
      %add3A_139 = arith.addi %mul3A_69, %add3A_138 : i32
      %add3A_140 = vector.broadcast %add3A_139 : i32 to vector<16xi32>
      %add3A_141 = arith.addi %mul3A_46, %add3A_140 : vector<16xi32>
      %gather3A_142 = tpu.vector_load_idx %arg8[%add3A_141] : memref<8192xi32, #tpu.memory_space<vmem>>[vector<16xi32>], vector<16xi32>,
      %scatter3A_143 = arith.constant 0 : i32
      %scatter3A_144 = arith.constant 0 : i32
      %scatter3A_145 = tpu.memref_slice %arg11[%add3A_67, %scatter3A_143, %scatter3A_144] : memref<64x16x64xf32, #tpu.memory_space<vmem>> -> memref<1x16x64xf32, #tpu.memory_space<vmem>>
      %scatter3A_146 = tpu.memref_squeeze %scatter3A_145 : memref<1x16x64xf32, #tpu.memory_space<vmem>> -> memref<16x64xf32, #tpu.memory_space<vmem>>
      tpu.vector_store_idx %scatter3A_146[%iota3A_47, %gather3A_142], %broadcast_in_dim3A_43 {add = true} : memref<16x64xf32, #tpu.memory_space<vmem>>[vector<16xi32>, vector<16xi32>], vector<16xf32>,
      %gather3A_147 = tpu.vector_load_idx %arg9[%add3A_141] : memref<8192xf32, #tpu.memory_space<vmem>>[vector<16xi32>], vector<16xf32>,
      tpu.vector_store_idx %arg12[%gather3A_142, %iota3A_47], %gather3A_147 {add = true} : memref<64x16xf32, #tpu.memory_space<vmem>>[vector<16xi32>, vector<16xi32>], vector<16xf32>,
      %dma_start3A_148 = arith.constant 0 : i32
      %dma_start3A_149 = arith.constant 0 : i32
      %dma_start3A_150 = tpu.memref_slice %arg11[%add3A_67, %dma_start3A_148, %dma_start3A_149] : memref<64x16x64xf32, #tpu.memory_space<vmem>> -> memref<1x16x64xf32, #tpu.memory_space<vmem>>
      %dma_start3A_151 = tpu.memref_squeeze %dma_start3A_150 : memref<1x16x64xf32, #tpu.memory_space<vmem>> -> memref<16x64xf32, #tpu.memory_space<vmem>>
      %dma_start3A_152 = arith.constant 0 : i32
      %dma_start3A_153 = tpu.memref_slice %arg10[%add3A_67, %dma_start3A_152] : memref<64x16xi32, #tpu.memory_space<vmem>> -> memref<1x16xi32, #tpu.memory_space<vmem>>
      %dma_start3A_154 = tpu.memref_squeeze %dma_start3A_153 : memref<1x16xi32, #tpu.memory_space<vmem>> -> memref<16xi32, #tpu.memory_space<vmem>>
      %dma_start3A_155 = arith.constant 0 : i32
      %dma_start3A_156 = arith.constant 0 : i32
      %dma_start3A_157 = tpu.memref_slice %arg13[%dma_start3A_155, %dma_start3A_156] : memref<8192x64xf32, #tpu.memory_space<vmem_shared>> -> memref<8192x64xf32, #tpu.memory_space<vmem_shared>>
      tpu.enqueue_indirect_dma source(%dma_start3A_151 : memref<16x64xf32, #tpu.memory_space<vmem>>) target(%dma_start3A_157 : memref<8192x64xf32, #tpu.memory_space<vmem_shared>>) offsets(%dma_start3A_154 : memref<16xi32, #tpu.memory_space<vmem>>) semaphore(%arg14 : memref<!tpu.dma_semaphore, #tpu.memory_space<semaphore_mem>>) {add = true}
      %ge3A = arith.constant 8 : i32
      %ge3A_158 = arith.cmpi sge, %add3A_67, %ge3A : i32
      %convert_element_type3A = arith.extui %ge3A_158 : i1 to i32
      %cond3A = arith.constant 0 : i32
      %cond3A_159 = arith.cmpi ne, %convert_element_type3A, %cond3A : i32
      scf.if %cond3A_159 {
        %dma_wait3A_160 = arith.constant 0 : i32
        %dma_wait3A_161 = arith.constant 0 : i32
        %dma_wait3A_162 = arith.constant 0 : i32
        %dma_wait3A_163 = tpu.memref_slice %arg11[%dma_wait3A_160, %dma_wait3A_161, %dma_wait3A_162] : memref<64x16x64xf32, #tpu.memory_space<vmem>> -> memref<1x16x64xf32, #tpu.memory_space<vmem>>
        %dma_wait3A_164 = tpu.memref_squeeze %dma_wait3A_163 : memref<1x16x64xf32, #tpu.memory_space<vmem>> -> memref<16x64xf32, #tpu.memory_space<vmem>>
        %dma_wait3A_165 = arith.constant 0 : i32
        %dma_wait3A_166 = arith.constant 0 : i32
        %dma_wait3A_167 = tpu.memref_slice %arg5[%dma_wait3A_165, %dma_wait3A_166] : memref<8192x64xf32, #tpu.memory_space<hbm>> -> memref<16x64xf32, #tpu.memory_space<hbm>>
        %dma_wait3A_168 = arith.constant 0 : i32
        %dma_wait3A_169 = arith.constant 0 : i32
        %dma_wait3A_170 = tpu.memref_slice %arg11[%dma_wait3A_160, %dma_wait3A_168, %dma_wait3A_169] : memref<64x16x64xf32, #tpu.memory_space<vmem>> -> memref<1x16x64xf32, #tpu.memory_space<vmem>>
        %dma_wait3A_171 = tpu.memref_squeeze %dma_wait3A_170 : memref<1x16x64xf32, #tpu.memory_space<vmem>> -> memref<16x64xf32, #tpu.memory_space<vmem>>
        %dma_wait3A_172 = arith.constant 0 : i32
        %dma_wait3A_173 = arith.constant 0 : i32
        %dma_wait3A_174 = tpu.memref_slice %arg5[%dma_wait3A_172, %dma_wait3A_173] : memref<8192x64xf32, #tpu.memory_space<hbm>> -> memref<16x64xf32, #tpu.memory_space<hbm>>
        tpu.wait_dma2 semaphore(%arg14 : memref<!tpu.dma_semaphore, #tpu.memory_space<semaphore_mem>>) src(%dma_wait3A_174 : memref<16x64xf32, #tpu.memory_space<hbm>>) dst(%dma_wait3A_171 : memref<16x64xf32, #tpu.memory_space<vmem>>)
      } else {
      }
    }
    %scan3A_52 = arith.constant 64 : i32
    %scan3A_53 = arith.constant 0 : i32
    %scan3A_54 = arith.constant 8 : i32
    %scan3A_55 = arith.addi %scan3A_53, %scan3A_54 : i32
    %scan3A_56 = arith.constant 1 : i32
    scf.for %scan3A_63 = %scan3A_53 to %scan3A_55 step %scan3A_56  : i32 {
      %mul3A_64 = arith.constant 1 : i32
      %mul3A_65 = arith.muli %scan3A_63, %mul3A_64 : i32
      %add3A_66 = arith.constant 0 : i32
      %add3A_67 = arith.addi %add3A_66, %mul3A_65 : i32
      %dma_wait3A_68 = arith.constant 0 : i32
      %dma_wait3A_69 = arith.constant 0 : i32
      %dma_wait3A_70 = arith.constant 0 : i32
      %dma_wait3A_71 = tpu.memref_slice %arg11[%dma_wait3A_68, %dma_wait3A_69, %dma_wait3A_70] : memref<64x16x64xf32, #tpu.memory_space<vmem>> -> memref<1x16x64xf32, #tpu.memory_space<vmem>>
      %dma_wait3A_72 = tpu.memref_squeeze %dma_wait3A_71 : memref<1x16x64xf32, #tpu.memory_space<vmem>> -> memref<16x64xf32, #tpu.memory_space<vmem>>
      %dma_wait3A_73 = arith.constant 0 : i32
      %dma_wait3A_74 = arith.constant 0 : i32
      %dma_wait3A_75 = tpu.memref_slice %arg5[%dma_wait3A_73, %dma_wait3A_74] : memref<8192x64xf32, #tpu.memory_space<hbm>> -> memref<16x64xf32, #tpu.memory_space<hbm>>
      %dma_wait3A_76 = arith.constant 0 : i32
      %dma_wait3A_77 = arith.constant 0 : i32
      %dma_wait3A_78 = tpu.memref_slice %arg11[%dma_wait3A_68, %dma_wait3A_76, %dma_wait3A_77] : memref<64x16x64xf32, #tpu.memory_space<vmem>> -> memref<1x16x64xf32, #tpu.memory_space<vmem>>
      %dma_wait3A_79 = tpu.memref_squeeze %dma_wait3A_78 : memref<1x16x64xf32, #tpu.memory_space<vmem>> -> memref<16x64xf32, #tpu.memory_space<vmem>>
      %dma_wait3A_80 = arith.constant 0 : i32
      %dma_wait3A_81 = arith.constant 0 : i32
      %dma_wait3A_82 = tpu.memref_slice %arg5[%dma_wait3A_80, %dma_wait3A_81] : memref<8192x64xf32, #tpu.memory_space<hbm>> -> memref<16x64xf32, #tpu.memory_space<hbm>>
      tpu.wait_dma2 semaphore(%arg14 : memref<!tpu.dma_semaphore, #tpu.memory_space<semaphore_mem>>) src(%dma_wait3A_82 : memref<16x64xf32, #tpu.memory_space<hbm>>) dst(%dma_wait3A_79 : memref<16x64xf32, #tpu.memory_space<vmem>>)
    }
    %scan3A_57 = arith.constant 8 : i32
    "tpu.region"() ({
      %run_scoped3A = tpu.sem_alloc : memref<!tpu.dma_semaphore, #tpu.memory_space<semaphore_mem>>
      %dma_start3A_63 = arith.constant 0 : i32
      %dma_start3A_64 = arith.constant 0 : i32
      %dma_start3A_65 = tpu.memref_slice %arg7[%add3A, %dma_start3A_63, %dma_start3A_64] : memref<32x64x16xf32, #tpu.memory_space<hbm>> -> memref<1x64x16xf32, #tpu.memory_space<hbm>>
      %dma_start3A_66 = tpu.memref_squeeze %dma_start3A_65 : memref<1x64x16xf32, #tpu.memory_space<hbm>> -> memref<64x16xf32, #tpu.memory_space<hbm>>
      %dma_start3A_67 = arith.constant 0 : i32
      %dma_start3A_68 = arith.constant 0 : i32
      %dma_start3A_69 = tpu.memref_slice %arg7[%add3A, %dma_start3A_67, %dma_start3A_68] : memref<32x64x16xf32, #tpu.memory_space<hbm>> -> memref<1x64x16xf32, #tpu.memory_space<hbm>>
      %dma_start3A_70 = tpu.memref_squeeze %dma_start3A_69 : memref<1x64x16xf32, #tpu.memory_space<hbm>> -> memref<64x16xf32, #tpu.memory_space<hbm>>
      tpu.enqueue_dma source(%arg12 : memref<64x16xf32, #tpu.memory_space<vmem>>) target(%dma_start3A_70 : memref<64x16xf32, #tpu.memory_space<hbm>>) target_semaphore(%run_scoped3A : memref<!tpu.dma_semaphore, #tpu.memory_space<semaphore_mem>>)
      %dma_wait3A_71 = arith.constant 0 : i32
      %dma_wait3A_72 = arith.constant 0 : i32
      %dma_wait3A_73 = tpu.memref_slice %arg7[%add3A, %dma_wait3A_71, %dma_wait3A_72] : memref<32x64x16xf32, #tpu.memory_space<hbm>> -> memref<1x64x16xf32, #tpu.memory_space<hbm>>
      %dma_wait3A_74 = tpu.memref_squeeze %dma_wait3A_73 : memref<1x64x16xf32, #tpu.memory_space<hbm>> -> memref<64x16xf32, #tpu.memory_space<hbm>>
      %dma_wait3A_75 = arith.constant 0 : i32
      %dma_wait3A_76 = arith.constant 0 : i32
      %dma_wait3A_77 = tpu.memref_slice %arg7[%add3A, %dma_wait3A_75, %dma_wait3A_76] : memref<32x64x16xf32, #tpu.memory_space<hbm>> -> memref<1x64x16xf32, #tpu.memory_space<hbm>>
      %dma_wait3A_78 = tpu.memref_squeeze %dma_wait3A_77 : memref<1x64x16xf32, #tpu.memory_space<hbm>> -> memref<64x16xf32, #tpu.memory_space<hbm>>
      tpu.wait_dma2 semaphore(%run_scoped3A : memref<!tpu.dma_semaphore, #tpu.memory_space<semaphore_mem>>) src(%arg12 : memref<64x16xf32, #tpu.memory_space<vmem>>) dst(%dma_wait3A_78 : memref<64x16xf32, #tpu.memory_space<hbm>>)
      tpu.yield
    }) : () -> ()
    %barrier3A_58 = arith.constant 0 : index
    tpu.barrier barrier_id(%barrier3A_58)
    %mul3A_59 = arith.constant 512 : i32
    %mul3A_60 = arith.muli %arg1, %mul3A_59 : i32
    %mul3A_61 = arith.constant 512 : i32
    %mul3A_62 = arith.muli %arg1, %mul3A_61 : i32
    "tpu.region"() ({
      %run_scoped3A = tpu.sem_alloc : memref<!tpu.dma_semaphore, #tpu.memory_space<semaphore_mem>>
      %dma_start3A_63 = arith.constant 0 : i32
      %dma_start3A_64 = tpu.memref_slice %arg6[%arg0, %mul3A_62, %dma_start3A_63] : memref<2x8192x64xf32, #tpu.memory_space<hbm>> -> memref<1x512x64xf32, #tpu.memory_space<hbm>>
      %dma_start3A_65 = tpu.memref_squeeze %dma_start3A_64 : memref<1x512x64xf32, #tpu.memory_space<hbm>> -> memref<512x64xf32, #tpu.memory_space<hbm>>
      %dma_start3A_66 = arith.constant 0 : i32
      %dma_start3A_67 = tpu.memref_slice %arg13[%mul3A_60, %dma_start3A_66] : memref<8192x64xf32, #tpu.memory_space<vmem_shared>> -> memref<512x64xf32, #tpu.memory_space<vmem_shared>>
      tpu.enqueue_dma source(%dma_start3A_67 : memref<512x64xf32, #tpu.memory_space<vmem_shared>>) target(%dma_start3A_65 : memref<512x64xf32, #tpu.memory_space<hbm>>) target_semaphore(%run_scoped3A : memref<!tpu.dma_semaphore, #tpu.memory_space<semaphore_mem>>)
      %dma_wait3A_68 = arith.constant 0 : i32
      %dma_wait3A_69 = tpu.memref_slice %arg6[%arg0, %mul3A_62, %dma_wait3A_68] : memref<2x8192x64xf32, #tpu.memory_space<hbm>> -> memref<1x512x64xf32, #tpu.memory_space<hbm>>
      %dma_wait3A_70 = tpu.memref_squeeze %dma_wait3A_69 : memref<1x512x64xf32, #tpu.memory_space<hbm>> -> memref<512x64xf32, #tpu.memory_space<hbm>>
      %dma_wait3A_71 = arith.constant 0 : i32
      %dma_wait3A_72 = tpu.memref_slice %arg13[%mul3A_60, %dma_wait3A_71] : memref<8192x64xf32, #tpu.memory_space<vmem_shared>> -> memref<512x64xf32, #tpu.memory_space<vmem_shared>>
      tpu.wait_dma2 semaphore(%run_scoped3A : memref<!tpu.dma_semaphore, #tpu.memory_space<semaphore_mem>>) src(%dma_wait3A_72 : memref<512x64xf32, #tpu.memory_space<vmem_shared>>) dst(%dma_wait3A_70 : memref<512x64xf32, #tpu.memory_space<hbm>>)
      tpu.yield
    }) : () -> ()
    return
  }
}

module attributes {stable_mosaic.version = 14 : i64} {
  func.func @_tc_body(%arg0: memref<2x8192x64xf32, #tpu.memory_space<vmem>>, %arg1: memref<8192x64xf32, #tpu.memory_space<vmem>>, %arg2: memref<32x64x16xf32, #tpu.memory_space<vmem>>, %arg3: memref<1x128xf32, #tpu.memory_space<vmem>>) attributes {dimension_semantics = [], scalar_prefetch = 0 : i64, scratch_operands = 0 : i64, tpu.core_type = #tpu.core_type<tc>} {
    %get3A = arith.constant 0 : index
    %get3A_0 = arith.constant 0 : index
    %get3A_1 = arith.constant 0 : index
    %get3A_2 = vector.load %arg0[%get3A, %get3A_0, %get3A_1] : memref<2x8192x64xf32, #tpu.memory_space<vmem>>, vector<1x8192x64xf32>
    %get3A_3 = vector.shape_cast %get3A_2 : vector<1x8192x64xf32> to vector<8192x64xf32>
    %get3A_4 = arith.constant 1 : index
    %get3A_5 = arith.constant 0 : index
    %get3A_6 = arith.constant 0 : index
    %get3A_7 = vector.load %arg0[%get3A_4, %get3A_5, %get3A_6] : memref<2x8192x64xf32, #tpu.memory_space<vmem>>, vector<1x8192x64xf32>
    %get3A_8 = vector.shape_cast %get3A_7 : vector<1x8192x64xf32> to vector<8192x64xf32>
    %add3A = arith.addf %get3A_3, %get3A_8 : vector<8192x64xf32>
    %get3A_9 = arith.constant 0 : index
    %get3A_10 = arith.constant 0 : index
    %get3A_11 = vector.load %arg1[%get3A_9, %get3A_10] : memref<8192x64xf32, #tpu.memory_space<vmem>>, vector<8192x64xf32>
    %sub3A = arith.subf %add3A, %get3A_11 : vector<8192x64xf32>
    %reduce_sum3A = arith.constant dense<0.000000e+00> : vector<8192xf32>
    %reduce_sum3A_12 = vector.multi_reduction <add>, %sub3A, %reduce_sum3A [1] : vector<8192x64xf32> to vector<8192xf32>
    %broadcast_in_dim3A = vector.shape_cast %reduce_sum3A_12 : vector<8192xf32> to vector<8192x1xf32>
    %add3A_13 = arith.constant 9.99999997E-7 : f32
    %add3A_14 = vector.broadcast %add3A_13 : f32 to vector<8192x1xf32>
    %add3A_15 = arith.addf %broadcast_in_dim3A, %add3A_14 : vector<8192x1xf32>
    %div3A = vector.broadcast %add3A_15 : vector<8192x1xf32> to vector<8192x64xf32>
    %div3A_16 = arith.divf %sub3A, %div3A : vector<8192x64xf32>
    %add3A_17 = arith.constant 9.99999997E-7 : f32
    %add3A_18 = vector.broadcast %add3A_17 : f32 to vector<8192x64xf32>
    %add3A_19 = arith.addf %div3A_16, %add3A_18 : vector<8192x64xf32>
    %log3A = math.log %add3A_19 : vector<8192x64xf32>
    %mul3A = arith.mulf %div3A_16, %log3A : vector<8192x64xf32>
    %reduce_sum3A_20 = vector.shape_cast %mul3A : vector<8192x64xf32> to vector<1x8192x64xf32>
    %reduce_sum3A_21 = arith.constant dense<0.000000e+00> : vector<1xf32>
    %reduce_sum3A_22 = vector.multi_reduction <add>, %reduce_sum3A_20, %reduce_sum3A_21 [1, 2] : vector<1x8192x64xf32> to vector<1xf32>
    %reduce_sum3A_23 = vector.shape_cast %reduce_sum3A_22 : vector<1xf32> to vector<1x1x1xf32>
    %reduce_sum3A_24 = vector.extract %reduce_sum3A_23[0, 0, 0] : f32 from vector<1x1x1xf32>
    %neg3A = arith.constant 0.000000e+00 : f32
    %neg3A_25 = arith.subf %neg3A, %reduce_sum3A_24 : f32
    %div3A_26 = arith.constant 5.242880e+05 : f32
    %div3A_27 = arith.divf %neg3A_25, %div3A_26 : f32
    %get3A_28 = arith.constant 0 : index
    %get3A_29 = arith.constant 0 : index
    %get3A_30 = arith.constant 0 : index
    %get3A_31 = vector.load %arg2[%get3A_28, %get3A_29, %get3A_30] : memref<32x64x16xf32, #tpu.memory_space<vmem>>, vector<32x64x16xf32>
    %reduce_sum3A_32 = arith.constant dense<0.000000e+00> : vector<64x16xf32>
    %reduce_sum3A_33 = vector.multi_reduction <add>, %get3A_31, %reduce_sum3A_32 [0] : vector<32x64x16xf32> to vector<64x16xf32>
    %reduce_sum3A_34 = arith.constant dense<0.000000e+00> : vector<64xf32>
    %reduce_sum3A_35 = vector.multi_reduction <add>, %reduce_sum3A_33, %reduce_sum3A_34 [1] : vector<64x16xf32> to vector<64xf32>
    %broadcast_in_dim3A_36 = vector.shape_cast %reduce_sum3A_35 : vector<64xf32> to vector<64x1xf32>
    %reduce_sum3A_37 = vector.shape_cast %broadcast_in_dim3A_36 : vector<64x1xf32> to vector<1x64x1xf32>
    %reduce_sum3A_38 = arith.constant dense<0.000000e+00> : vector<1xf32>
    %reduce_sum3A_39 = vector.multi_reduction <add>, %reduce_sum3A_37, %reduce_sum3A_38 [1, 2] : vector<1x64x1xf32> to vector<1xf32>
    %reduce_sum3A_40 = vector.shape_cast %reduce_sum3A_39 : vector<1xf32> to vector<1x1x1xf32>
    %reduce_sum3A_41 = vector.extract %reduce_sum3A_40[0, 0, 0] : f32 from vector<1x1x1xf32>
    %div3A_42 = arith.constant 6.400000e+01 : f32
    %div3A_43 = arith.divf %reduce_sum3A_41, %div3A_42 : f32
    %sub3A_44 = vector.broadcast %div3A_43 : f32 to vector<64x1xf32>
    %sub3A_45 = arith.subf %broadcast_in_dim3A_36, %sub3A_44 : vector<64x1xf32>
    %integer_pow3A = arith.mulf %sub3A_45, %sub3A_45 : vector<64x1xf32>
    %reduce_sum3A_46 = vector.shape_cast %integer_pow3A : vector<64x1xf32> to vector<1x64x1xf32>
    %reduce_sum3A_47 = arith.constant dense<0.000000e+00> : vector<1xf32>
    %reduce_sum3A_48 = vector.multi_reduction <add>, %reduce_sum3A_46, %reduce_sum3A_47 [1, 2] : vector<1x64x1xf32> to vector<1xf32>
    %reduce_sum3A_49 = vector.shape_cast %reduce_sum3A_48 : vector<1xf32> to vector<1x1x1xf32>
    %reduce_sum3A_50 = vector.extract %reduce_sum3A_49[0, 0, 0] : f32 from vector<1x1x1xf32>
    %div3A_51 = arith.constant 6.300000e+01 : f32
    %div3A_52 = arith.divf %reduce_sum3A_50, %div3A_51 : f32
    %sqrt3A = math.sqrt %div3A_52 : f32
    %add3A_53 = arith.constant 9.99999997E-7 : f32
    %add3A_54 = arith.addf %div3A_43, %add3A_53 : f32
    %div3A_55 = arith.divf %sqrt3A, %add3A_54 : f32
    %sub3A_56 = arith.constant 1.000000e+00 : f32
    %sub3A_57 = arith.subf %sub3A_56, %div3A_27 : f32
    %add3A_58 = arith.addf %div3A_55, %sub3A_57 : f32
    %iota3A = tpu.iota {dimensions = array<i32: 1>} : vector<1x128xi32>
    %eq3A = arith.constant 0 : i32
    %eq3A_59 = vector.broadcast %eq3A : i32 to vector<1x128xi32>
    %eq3A_60 = arith.cmpi eq, %iota3A, %eq3A_59 : vector<1x128xi32>
    %eq3A_61 = arith.constant 1 : i32
    %eq3A_62 = vector.broadcast %eq3A_61 : i32 to vector<1x128xi32>
    %eq3A_63 = arith.cmpi eq, %iota3A, %eq3A_62 : vector<1x128xi32>
    %broadcast_in_dim3A_64 = vector.broadcast %div3A_55 : f32 to vector<1x128xf32>
    %broadcast_in_dim3A_65 = vector.broadcast %div3A_27 : f32 to vector<1x128xf32>
    %select_n3A = arith.select %eq3A_63, %broadcast_in_dim3A_64, %broadcast_in_dim3A_65 : vector<1x128xi1>, vector<1x128xf32>
    %broadcast_in_dim3A_66 = vector.broadcast %add3A_58 : f32 to vector<1x128xf32>
    %select_n3A_67 = arith.select %eq3A_60, %broadcast_in_dim3A_66, %select_n3A : vector<1x128xi1>, vector<1x128xf32>
    %swap3A = arith.constant 0 : index
    %swap3A_68 = arith.constant 0 : index
    %swap3A_69 = vector.load %arg3[%swap3A, %swap3A_68] : memref<1x128xf32, #tpu.memory_space<vmem>>, vector<1x128xf32>
    tpu.vector_store %arg3[%swap3A, %swap3A_68], %select_n3A_67 {strides = array<i32>} : memref<1x128xf32, #tpu.memory_space<vmem>>, vector<1x128xf32>,
    return
  }
}

</mosaic_0001>

<sc_bundles>
// kernel: kernel.4.cloned.1.call-start
scs
__scs_entry_jumppad:
0x0: {  	(pc) =	sbr.rel $0x88, $3  }
0x1: {  	(tag) =	ssettag $0x0;
	lr =	simm.s32 $0x1  }
0x2: {  	[smem:$0x3F9D] =	sst lr;
	_ =	strace $0xD0000000  }
0x3: {  	_ = 	snop  }
0x4: {  	_ = 	snop  }
0x5: {  	_ = 	snop  }
0x6: {  	_ = 	snop  }
0x7: {  	_ = 	snop  }
__scs_overlays_trampoline_lowered:
0x8: {  	[smem:$0x3FAC] =	sst s0  }
0x9: {  	[smem:$0x3FAD] =	sst s1  }
0xa: {  	[smem:$0x3FAE] =	sst s2  }
0xb: {  	[smem:$0x3FAF] =	sst s3  }
0xc: {  	[smem:$0x3FB0] =	sst s4  }
0xd: {  	[smem:$0x3FB1] =	sst s5  }
0xe: {  	[smem:$0x3FB2] =	sst s6  }
0xf: {  	[smem:$0x3FB3] =	sst s7  }
0x10: {  	[smem:$0x3FB4] =	sst s8  }
0x11: {  	[smem:$0x3FB5] =	sst s9;
	s0 =	simm.s32 @!p0 $0x0  }
0x12: {  	s1 =	sld [smem:$0x3F9B];
	s0 =	simm.s32 @p0 $0x1  }
0x13: {  	[smem:$0x3FB6] =	sst s0;
	s0 =	simm.s32 @!p1 $0x0  }
0x14: {  	s2 =	sld [smem:$0x3F9A];
	s0 =	simm.s32 @p1 $0x1  }
0x15: {  	[smem:$0x3FB7] =	sst s0;
	s0 =	simm.s32 @!p2 $0x0  }
0x16: {  	s3 =	sld [smem:$0x3FDB];
	s0 =	simm.s32 @p2 $0x1  }
0x17: {  	s4 =	simm.s32 $0x1BF5;
	[smem:$0x3FB9] =	sst s0  }
0x18: {  	s0 =	sld [smem:$0x3F9C];
	_ =	swait.ge [sflag:s4], $0x0  }
0x19: {  	s7 =	sld [smem:$0x3F9D]  }
0x1a: {  	s8 =	sadd.s32 $0xFFFFE003, lr  }
0x1b: {  	s9 =	sadd.s32 $0xFFFFFEF7, lr;
	s5 =	simm.s32 $0xFFFFFFFF;
	p2 =	slt.u32 s8, $0xFFFFF086  }
0x1c: {  	p1 =	slt.u32 s9, $0xF7A;
	s5 =	simm.s32 @!p2 $0x0  }
0x1d: {  	s5 =	simm.s32 @p1 $0x1;
	p0 =	seq.s32 s7, s2  }
0x1e: {  	s7 =	smul.u32 @!p0 $0xF7A, s2;
	p2 =	seq.s32 @!p0 s5, $0x0  }
0x1f: {  	s9 =	smul.u32 $0xF7A, s1;
	s8 =	simm.s32 @!p0 $0x1BF5;
	p2 =	por !p2, p0  }
0x20: {  	[sflag:s8] =	ssyncset.s32 @!p0 $0xFFFFF086;
	s6 =	sadd.s32 @!p0 s3, s7;
	s7 =	simm.s32 @!p0 $0x108  }
0x21: {  	s3 =	sadd.s32 s3, s9;
	s6 =	sadd.s32 @!p0 $0x88, s6;
	s7 =	simm.s32 @p2 $0x1082  }
0x22: {  	[simem:s7], [sflag:s8] =	dma.local @!p0 [hbm:s6], $0xF7A  }
0x23: {  	s9 =	sor.u32 $0xD0000000, s2;
	s6 =	simm.s32 $0x108;
	_ =	swait.ge @!p0 [sflag:s8], $0x0  }
0x24: {  	s3 =	sadd.s32 $0x88, s3;
	s6 =	simm.s32 @!p1 $0x1082;
	[sflag:s4] =	ssyncset.s32 $0xFFFFF086  }
0x25: {  	[simem:s6], [sflag:s4] =	dma.local [hbm:s3], $0xF7A  }
0x26: {  	[smem:$0x3F9D] =	sst s1;
	(tag) =	ssettag s2;
	_ =	strace s9  }
0x27: {  	s1 =	sld [smem:$0x3FAD]  }
0x28: {  	s2 =	sld [smem:$0x3FAE]  }
0x29: {  	s4 =	sld [smem:$0x3FB0]  }
0x2a: {  	p0 =	seq.s32 s5, $0x0;
	s5 =	sld [smem:$0x3FB1]  }
0x2b: {  	s6 =	sld [smem:$0x3FB2]  }
0x2c: {  	s7 =	sld [smem:$0x3FB3]  }
0x2d: {  	s3 =	simm.s32 $0x108;
	s8 =	sld [smem:$0x3FB4]  }
0x2e: {  	s3 =	simm.s32 @!p0 $0x1082;
	s9 =	sld [smem:$0x3FB5]  }
0x2f: {  	lr =	sadd.s32 s0, s3;
	s0 =	sld [smem:$0x3FAC]  }
0x30: {  	s3 =	sld [smem:$0x3FAF]  }
0x31: {  	[smem:$0x3FB8] =	sst s10  }
0x32: {  	s10 =	sld [smem:$0x3FB6];
	_ =	sdelay $0x3  }
0x33: {  	p0 =	seq.s32 s10, $0x1;
	s10 =	sld [smem:$0x3FB8];
	_ =	sdelay $0x3  }
0x34: {  	[smem:$0x3FB8] =	sst s10  }
0x35: {  	s10 =	sld [smem:$0x3FB7];
	_ =	sdelay $0x3  }
0x36: {  	p1 =	seq.s32 s10, $0x1;
	s10 =	sld [smem:$0x3FB8];
	_ =	sdelay $0x3  }
0x37: {  	[smem:$0x3FB8] =	sst s10  }
0x38: {  	s10 =	sld [smem:$0x3FB9]  }
0x39: {  	_ = 	snop;
	(pc) =	sbr.ind lr, $3  }
0x3a: {  	_ = 	snop  }
0x3b: {  	_ = 	snop  }
0x3c: {  	p2 =	seq.s32 s10, $0x1;
	s10 =	sld [smem:$0x3FB8]  }
0x3d: {  	_ =	shalt  }
0x3e: {  	_ =	shalt  }
0x3f: {  	_ =	shalt  }
0x40: {  	_ =	shalt  }
0x41: {  	_ =	shalt  }
0x42: {  	_ =	shalt  }
0x43: {  	_ =	shalt  }
0x44: {  	_ =	shalt  }
0x45: {  	_ =	shalt  }
0x46: {  	_ =	shalt  }
0x47: {  	_ =	shalt  }
0x48: {  	_ =	shalt  }
0x49: {  	_ =	shalt  }
0x4a: {  	_ =	shalt  }
0x4b: {  	_ =	shalt  }
0x4c: {  	_ =	shalt  }
0x4d: {  	_ =	shalt  }
0x4e: {  	_ =	shalt  }
0x4f: {  	_ =	shalt  }
0x50: {  	_ =	shalt  }
0x51: {  	_ =	shalt  }
0x52: {  	_ =	shalt  }
0x53: {  	_ =	shalt  }
0x54: {  	_ =	shalt  }
0x55: {  	_ =	shalt  }
0x56: {  	_ =	shalt  }
0x57: {  	_ =	shalt  }
0x58: {  	_ =	shalt  }
0x59: {  	_ =	shalt  }
0x5a: {  	_ =	shalt  }
0x5b: {  	_ =	shalt  }
0x5c: {  	_ =	shalt  }
0x5d: {  	_ =	shalt  }
0x5e: {  	_ =	shalt  }
0x5f: {  	_ =	shalt  }
0x60: {  	_ =	shalt  }
0x61: {  	_ =	shalt  }
0x62: {  	_ =	shalt  }
0x63: {  	_ =	shalt  }
0x64: {  	_ =	shalt  }
0x65: {  	_ =	shalt  }
0x66: {  	_ =	shalt  }
0x67: {  	_ =	shalt  }
0x68: {  	_ =	shalt  }
0x69: {  	_ =	shalt  }
0x6a: {  	_ =	shalt  }
0x6b: {  	_ =	shalt  }
0x6c: {  	_ =	shalt  }
0x6d: {  	_ =	shalt  }
0x6e: {  	_ =	shalt  }
0x6f: {  	_ =	shalt  }
0x70: {  	_ =	shalt  }
0x71: {  	_ =	shalt  }
0x72: {  	_ =	shalt  }
0x73: {  	_ =	shalt  }
0x74: {  	_ =	shalt  }
0x75: {  	_ =	shalt  }
0x76: {  	_ =	shalt  }
0x77: {  	_ =	shalt  }
0x78: {  	_ =	shalt  }
0x79: {  	_ =	shalt  }
0x7a: {  	_ =	shalt  }
0x7b: {  	_ =	shalt  }
0x7c: {  	_ =	shalt  }
0x7d: {  	_ =	shalt  }
0x7e: {  	_ =	shalt  }
0x7f: {  	_ =	shalt  }
0x80: {  	_ =	shalt  }
0x81: {  	_ =	shalt  }
0x82: {  	_ =	shalt  }
0x83: {  	_ =	shalt  }
0x84: {  	_ =	shalt  }
0x85: {  	_ =	shalt  }
0x86: {  	_ =	shalt  }
0x87: {  	_ =	shalt  }
.Lfunc_end0:
.L_simem_size_0:
called_computation_lowered:
.L_overlay_start_0:
0x88: {  	s2 =	sld [smem:$0x3FD9]  }
0x89: {  	s3 =	sld [smem:$0x3FFE];
	_ =	sdelay $0x1  }
0x8a: {  	s1 =	srdreg.scid  }
0x8b: {  	s0 =	sand.u32 $0x1, s1  }
0x8c: {  	s16 =	sshll.u32 s0, $0xA;
	s2 =	sadd.s32 s3, s2  }
0x8d: {  	s2 =	sadd.s32 s2, s16  }
0x8e: {  	[smem:$0x3FC4] =	sst s2  }
0x8f: {  	_ = 	snop  }
0x90: {  	(tm) =	ssettm $0x1  }
0x91: {  	s17 =	sld [smem:$0x3FFB];
	_ =	sdelay $0x3  }
0x92: {  	_ =	strace s17  }
0x93: {  	s2 =	sld [smem:$0x3FFC];
	_ =	sdelay $0x3  }
0x94: {  	_ =	strace s2  }
0x95: {  	s2 =	sld [smem:$0x3FFD];
	_ =	sdelay $0x3  }
0x96: {  	_ =	strace s2  }
0x97: {  	_ =	strace $0x8FFFFFFF  }
0x98: {  	s18 =	sld [smem:$0x3FDB];
	_ =	sdelay $0x1  }
0x99: {  	s19 =	simm.s32 $_scs_section_size  }
0x9a: {  	s4 =	simm.s32 $_size__tile_overlayer_lowered;
	s5 =	simm.s32 $_tile_overlayer_lowered  }
0x9b: {  	s22 =	simm.s32 $0x1BFF;
	s21 =	sshll.u32 s5, $0x1;
	s2 =	sadd.s32 s19, s18  }
0x9c: {  	s6 =	simm.s32 $0x0;
	s20 =	sshll.u32 s4, $0x1;
	s4 =	sadd.s32 s21, s2  }
0x9d: {  	[timem:s6], [sflag:s22] =	dma.local [hbm:s4], s20  }
0x9e: {  	_ =	swait.ge [sflag:s22], s20  }
0x9f: {  	s3 =	ssub.s32 $0x0, s20;
	[sflag:s22] =	ssyncset.done $0x0  }
0xa0: {  	[sflag:s22] =	ssyncadd.s32 s3;
	_ =	sdelay $0x1  }
0xa1: {  	s23 =	simm.s32 $0x1B8B  }
0xa2: {  	_ =	swait.ge [sflag:s23], $0x1  }
0xa3: {  	[sflag:s23] =	ssyncset.done $0x0  }
0xa4: {  	s25 =	simm.s32 $0x1B8E;
	s24 =	sld [smem:$0x3FFE];
	[sflag:s23] =	ssyncadd.s32 $0xFFFFFFFF  }
0xa5: {  	s26 =	simm.s32 $execute0_lowered;
	[smem:$0x3FD2] =	sst s25  }
0xa6: {  	s4 =	sshll.u32 s26, $0x1;
	_ =	strace $0x80000046;
	[dreg:$0x1] =	wrdreg $0xFFFFFFFF  }
0xa7: {  	s28 =	simm.s32 $_size_execute0_lowered;
	s2 =	sadd.s32 s2, s4;
	[dreg:$0x0] =	wrdreg $0x0  }
0xa8: {  	s4 =	sshll.u32 s28, $0x1;
	[dreg:$0x2] =	wrdreg s2  }
0xa9: {  	[dreg:$0x3] =	wrdreg s4  }
0xaa: {  	[dreg:$0x4] =	wrdreg $0xC0  }
0xab: {  	_ =	task [dreg:s6], $0x5FFFF  }
0xac: {  	[dreg:$0x1] =	wrdreg $0xFFFFFFFF  }
0xad: {  	[dreg:$0x0] =	wrdreg $0x60  }
0xae: {  	[dreg:$0x2] =	wrdreg s24  }
0xaf: {  	[dreg:$0x3] =	wrdreg $0x148000  }
0xb0: {  	[dreg:$0x4] =	wrdreg $0x9  }
0xb1: {  	_ =	task.clear_ibuf [dreg:s6], $0x5FFFF;
	_ =	strace $0x90000046  }
0xb2: {  	s29 =	simm.s32 $0x9;
	_ =	strace $0x80000048  }
0xb3: {  	_ =	swait.ge [sflag:s29], $0x1  }
0xb4: {  	[sflag:s29] =	ssyncadd.s32 $0xFFFFFFFF  }
0xb5: {  	_ =	strace $0x90000048  }
0xb6: {  	_ =	sfence  }
0xb7: {  	s30 =	sld [smem:$0x0];
	_ =	sdelay $0x2  }
0xb8: {  	s31 =	sshll.u32 s1, $0xD;
	s1 =	sshrl.u32 s1, $0x2  }
0xb9: {  	s3 =	sand.u32 $0x4000, s31;
	s1 =	sadd.s32 s1, s30  }
0xba: {  	s0 =	sor.u32 s3, s0;
	s1 =	sshll.u32 s1, $0x11  }
0xbb: {  	s0 =	sor.u32 s1, s0  }
0xbc: {  	s0 =	sadd.s32 $0x8F2B, s0  }
0xbd: {  	[sflag:s0] =	ssyncadd.remote.s32 $0x1  }
0xbe: {  	_ =	sfence.sel $0xFFFF  }
0xbf: {  	[dreg:$0x0] =	wrdreg $0xFFFFFFFF;
	(pc) =	sbr.abs _section_cstart, $3  }
0xc0: {  	[dreg:$0x1] =	wrdreg $0xFFFFFFFF  }
0xc1: {  	_ =	task.clear_ibuf [dreg:s6], $0x2FFFF;
	_ =	strace $0x9FFFFFFF  }
0xc2: {  	(tm) =	ssettm $0x7FFFFFFF  }
0xc3: {  	_ =	shalt  }
tec
execute0_lowered:
.L_overlay_start_1:
0x0: {  	(tag) =	ssettag $0x1  }
0x1: {  	s0 =	srdreg.scid;
	s4 =	rddreg [dreg:$0x0]  }
0x2: {  	s2 =	rddreg [dreg:$0x1];
	s1 =	stileid.u32  }
0x3: {  	s3 =	simm.s32 $0x0;
	s14 =	simm.s32 $0x4000;
	s16 =	simm.s32 $0x1  }
0x4: {  	s17 =	simm.s32 $0x14400;
	s18 =	simm.s32 $0x10;
	s19 =	simm.s32 $0x2  }
0x5: {  	s20 =	simm.s32 $0x0;
	s5 =	sand.u32 $0x1, s0;
	s0 =	rddreg [dreg:$0x2]  }
0x6: {  	[smem:$0x7FF] =	sst s3;
	s8 =	sshll.u32 s1, $0xC;
	s9 =	sshll.u32 s1, $0xF  }
0x7: {  	s6 =	sshll.u32 s5, $0x4;
	_ =	strace $0x80000047;
	s10 =	sshll.u32 s5, $0x13  }
0x8: {  	s8 =	sadd.s32 s8, s4;
	s5 =	ssub.s32 $0x2, s5;
	s15 =	sadd.s32 s9, s2  }
0x9: {  	s6 =	sor.u32 s1, s6;
	s10 =	sor.u32 s9, s10;
	s11 =	sshrl.u32 s5, $0x1  }
0xa: {  	v0 =	vlaneseq.u32;
	s15 =	sshrl.u32 s15, $0x3;
	s7 =	sshll.u32 s6, $0xA;
	s10 =	sshrl.u32 s10, $0x3  }
0xb: {  	v1 =	vmul.u32 $0x8, v0;
	s6 =	sshll.u32 s6, $0x7;
	s13 =	ssub.s32 s5, s11;
	s7 =	sadd.s32 s7, s4  }
0xc: {  	v2 =	vimm.f32 $0.0e+00;
	s12 =	sadd.s32 s10, s4;
	s31 =	sadd.s32 s6, s4;
	s4 =	sadd.s32 $0x1200, s7  }
0xd: {  	v4 =	vimm.f32 $1.000000000e+00;
	v3 =	vmul.u32 $0x40, v0;
	v5 =	vor.u32 $0x1, v1;
	s5 =	sadd.s32 $0x9200, s7;
	s6 =	sadd.s32 $0x11200, s31;
	s7 =	sadd.s32 $0x12200, s8  }
0xe: {  	v6 =	vor.u32 $0x2, v1;
	v7 =	vor.u32 $0x3, v1;
	v8 =	vor.u32 $0x4, v1;
	s8 =	sshll.u32 s1, $0x6;
	s10 =	sadd.s32 $0x42200, s31;
	s11 =	sadd.s32 $0x22200, s12  }
0xf: {  	v9 =	vor.u32 $0x5, v1;
	v10 =	vor.u32 $0x6, v1;
	v11 =	vor.u32 $0x7, v1;
	s12 =	smax.u32 s13, $0x1;
	s13 =	simm.s32 $0x2000;
	s9 =	sor.u32 $0x1C01, s8  }
.LBB2_1:
0x10: {  	[tilespmem:s3], [sflag:$0x1] =	stream.linear.gather [hbm4b:s4+s3], $0x2000, $0x38;
	[tilespmem:$0x1C800] =	vst v63  }
0x11: {  	_ = 	snop  }
0x12: {  	[tilespmem:s13], [sflag:$0x1] =	stream.linear.gather [hbm4b:s5+s3], $0x2000, $0x38;
	[tilespmem:$0x1C800] =	vst v63  }
0x13: {  	s22 =	simm.s32 $0x0  }
0x14: {  	[tilespmem:s14], [sflag:$0x1] =	stream.linear.gather [hbm4b:s6+s3], $0x400, $0x38;
	[tilespmem:$0x1C800] =	vst v63  }
0x15: {  	[spmem:s15], [sflag:s9] =	dma.local [hbm:s7], $0x1000  }
0x16: {  	s21 =	simm.s32 $0x4600;
	[tilespmem:s22+$0x14400] =	vst v2;
	s22 =	simm.s32 $0x40  }
.LBB2_2:
0x17: {  	p0 =	sne.s32 s22, $0xFC0;
	[tilespmem:s21+$0xFFFFFE00] =	vst v2  }
0x18: {  	[tilespmem:s21+$0xFFFFFE10] =	vst v2  }
0x19: {  	[tilespmem:s21+$0xFFFFFE20] =	vst v2  }
0x1a: {  	[tilespmem:s21+$0xFFFFFE30] =	vst v2  }
0x1b: {  	[tilespmem:s21+$0xFFFFFE40] =	vst v2  }
0x1c: {  	[tilespmem:s21+$0xFFFFFE50] =	vst v2  }
0x1d: {  	[tilespmem:s21+$0xFFFFFE60] =	vst v2  }
0x1e: {  	[tilespmem:s21+$0xFFFFFE70] =	vst v2  }
0x1f: {  	[tilespmem:s21+$0xFFFFFE80] =	vst v2  }
0x20: {  	[tilespmem:s21+$0xFFFFFE90] =	vst v2  }
0x21: {  	[tilespmem:s21+$0xFFFFFEA0] =	vst v2  }
0x22: {  	[tilespmem:s21+$0xFFFFFEB0] =	vst v2  }
0x23: {  	[tilespmem:s21+$0xFFFFFEC0] =	vst v2  }
0x24: {  	[tilespmem:s21+$0xFFFFFED0] =	vst v2  }
0x25: {  	[tilespmem:s21+$0xFFFFFEE0] =	vst v2  }
0x26: {  	[tilespmem:s21+$0xFFFFFEF0] =	vst v2  }
0x27: {  	[tilespmem:s21+$0xFFFFFF00] =	vst v2  }
0x28: {  	[tilespmem:s21+$0xFFFFFF10] =	vst v2  }
0x29: {  	[tilespmem:s21+$0xFFFFFF20] =	vst v2  }
0x2a: {  	[tilespmem:s21+$0xFFFFFF30] =	vst v2  }
0x2b: {  	[tilespmem:s21+$0xFFFFFF40] =	vst v2  }
0x2c: {  	[tilespmem:s21+$0xFFFFFF50] =	vst v2  }
0x2d: {  	[tilespmem:s21+$0xFFFFFF60] =	vst v2  }
0x2e: {  	[tilespmem:s21+$0xFFFFFF70] =	vst v2  }
0x2f: {  	[tilespmem:s21+$0xFFFFFF80] =	vst v2  }
0x30: {  	[tilespmem:s21+$0xFFFFFF90] =	vst v2  }
0x31: {  	[tilespmem:s21+$0xFFFFFFA0] =	vst v2  }
0x32: {  	[tilespmem:s21+$0xFFFFFFB0] =	vst v2  }
0x33: {  	[tilespmem:s21+$0xFFFFFFC0] =	vst v2  }
0x34: {  	[tilespmem:s21+$0xFFFFFFD0] =	vst v2  }
0x35: {  	[tilespmem:s21+$0xFFFFFFE0] =	vst v2  }
0x36: {  	[tilespmem:s21+$0xFFFFFFF0] =	vst v2  }
0x37: {  	[tilespmem:s21+$0x0] =	vst v2  }
0x38: {  	[tilespmem:s21+$0x10] =	vst v2  }
0x39: {  	[tilespmem:s21+$0x20] =	vst v2  }
0x3a: {  	[tilespmem:s21+$0x30] =	vst v2  }
0x3b: {  	[tilespmem:s21+$0x40] =	vst v2  }
0x3c: {  	[tilespmem:s21+$0x50] =	vst v2  }
0x3d: {  	[tilespmem:s21+$0x60] =	vst v2  }
0x3e: {  	[tilespmem:s21+$0x70] =	vst v2  }
0x3f: {  	[tilespmem:s21+$0x80] =	vst v2  }
0x40: {  	[tilespmem:s21+$0x90] =	vst v2  }
0x41: {  	[tilespmem:s21+$0xA0] =	vst v2  }
0x42: {  	[tilespmem:s21+$0xB0] =	vst v2  }
0x43: {  	[tilespmem:s21+$0xC0] =	vst v2  }
0x44: {  	[tilespmem:s21+$0xD0] =	vst v2  }
0x45: {  	[tilespmem:s21+$0xE0] =	vst v2  }
0x46: {  	[tilespmem:s21+$0xF0] =	vst v2  }
0x47: {  	[tilespmem:s21+$0x100] =	vst v2  }
0x48: {  	[tilespmem:s21+$0x110] =	vst v2  }
0x49: {  	[tilespmem:s21+$0x120] =	vst v2  }
0x4a: {  	[tilespmem:s21+$0x130] =	vst v2  }
0x4b: {  	[tilespmem:s21+$0x140] =	vst v2  }
0x4c: {  	[tilespmem:s21+$0x150] =	vst v2  }
0x4d: {  	[tilespmem:s21+$0x160] =	vst v2  }
0x4e: {  	[tilespmem:s21+$0x170] =	vst v2  }
0x4f: {  	[tilespmem:s21+$0x180] =	vst v2  }
0x50: {  	[tilespmem:s21+$0x190] =	vst v2  }
0x51: {  	[tilespmem:s21+$0x1A0] =	vst v2  }
0x52: {  	[tilespmem:s21+$0x1B0] =	vst v2  }
.Ltmp0:
0x53: {  	[tilespmem:s21+$0x1C0] =	vst v2;
	(pc) =	sbr.rel @p0 .LBB2_2-.Ltmp0, $4  }
0x54: {  	[tilespmem:s21+$0x1D0] =	vst v2  }
0x55: {  	[tilespmem:s21+$0x1E0] =	vst v2  }
0x56: {  	s23 =	sshra.s32 s22, $0x2;
	[tilespmem:s21+$0x1F0] =	vst v2  }
0x57: {  	s22 =	sadd.s32 $0x40, s22;
	s21 =	sadd.s32 $0x400, s21;
	[tilespmem:s23+$0x14400] =	vst v2  }
0x58: {  	[tilespmem:s21+$0xFFFFFE00] =	vst v2  }
0x59: {  	[tilespmem:s21+$0xFFFFFE10] =	vst v2  }
0x5a: {  	[tilespmem:s21+$0xFFFFFE20] =	vst v2  }
0x5b: {  	[tilespmem:s21+$0xFFFFFE30] =	vst v2  }
0x5c: {  	[tilespmem:s21+$0xFFFFFE40] =	vst v2  }
0x5d: {  	[tilespmem:s21+$0xFFFFFE50] =	vst v2  }
0x5e: {  	[tilespmem:s21+$0xFFFFFE60] =	vst v2  }
0x5f: {  	[tilespmem:s21+$0xFFFFFE70] =	vst v2  }
0x60: {  	[tilespmem:s21+$0xFFFFFE80] =	vst v2  }
0x61: {  	[tilespmem:s21+$0xFFFFFE90] =	vst v2  }
0x62: {  	[tilespmem:s21+$0xFFFFFEA0] =	vst v2  }
0x63: {  	[tilespmem:s21+$0xFFFFFEB0] =	vst v2  }
0x64: {  	[tilespmem:s21+$0xFFFFFEC0] =	vst v2  }
0x65: {  	[tilespmem:s21+$0xFFFFFED0] =	vst v2  }
0x66: {  	[tilespmem:s21+$0xFFFFFEE0] =	vst v2  }
0x67: {  	[tilespmem:s21+$0xFFFFFEF0] =	vst v2  }
0x68: {  	[tilespmem:s21+$0xFFFFFF00] =	vst v2  }
0x69: {  	[tilespmem:s21+$0xFFFFFF10] =	vst v2  }
0x6a: {  	[tilespmem:s21+$0xFFFFFF20] =	vst v2  }
0x6b: {  	[tilespmem:s21+$0xFFFFFF30] =	vst v2  }
0x6c: {  	[tilespmem:s21+$0xFFFFFF40] =	vst v2  }
0x6d: {  	[tilespmem:s21+$0xFFFFFF50] =	vst v2  }
0x6e: {  	[tilespmem:s21+$0xFFFFFF60] =	vst v2  }
0x6f: {  	[tilespmem:s21+$0xFFFFFF70] =	vst v2  }
0x70: {  	[tilespmem:s21+$0xFFFFFF80] =	vst v2  }
0x71: {  	[tilespmem:s21+$0xFFFFFF90] =	vst v2  }
0x72: {  	[tilespmem:s21+$0xFFFFFFA0] =	vst v2  }
0x73: {  	[tilespmem:s21+$0xFFFFFFB0] =	vst v2  }
0x74: {  	[tilespmem:s21+$0xFFFFFFC0] =	vst v2  }
0x75: {  	[tilespmem:s21+$0xFFFFFFD0] =	vst v2  }
0x76: {  	[tilespmem:s21+$0xFFFFFFE0] =	vst v2  }
0x77: {  	[tilespmem:s21+$0xFFFFFFF0] =	vst v2  }
0x78: {  	[tilespmem:s21+$0x0] =	vst v2  }
0x79: {  	[tilespmem:s21+$0x10] =	vst v2  }
0x7a: {  	[tilespmem:s21+$0x20] =	vst v2  }
0x7b: {  	[tilespmem:s21+$0x30] =	vst v2  }
0x7c: {  	[tilespmem:s21+$0x40] =	vst v2  }
0x7d: {  	[tilespmem:s21+$0x50] =	vst v2  }
0x7e: {  	[tilespmem:s21+$0x60] =	vst v2  }
0x7f: {  	[tilespmem:s21+$0x70] =	vst v2  }
0x80: {  	[tilespmem:s21+$0x80] =	vst v2  }
0x81: {  	[tilespmem:s21+$0x90] =	vst v2  }
0x82: {  	[tilespmem:s21+$0xA0] =	vst v2  }
0x83: {  	[tilespmem:s21+$0xB0] =	vst v2  }
0x84: {  	[tilespmem:s21+$0xC0] =	vst v2  }
0x85: {  	[tilespmem:s21+$0xD0] =	vst v2  }
0x86: {  	[tilespmem:s21+$0xE0] =	vst v2  }
0x87: {  	[tilespmem:s21+$0xF0] =	vst v2  }
0x88: {  	[tilespmem:s21+$0x100] =	vst v2  }
0x89: {  	[tilespmem:s21+$0x110] =	vst v2  }
0x8a: {  	[tilespmem:s21+$0x120] =	vst v2  }
0x8b: {  	[tilespmem:s21+$0x130] =	vst v2  }
0x8c: {  	[tilespmem:s21+$0x140] =	vst v2  }
0x8d: {  	[tilespmem:s21+$0x150] =	vst v2  }
0x8e: {  	[tilespmem:s21+$0x160] =	vst v2  }
0x8f: {  	[tilespmem:s21+$0x170] =	vst v2  }
0x90: {  	[tilespmem:s21+$0x180] =	vst v2  }
0x91: {  	[tilespmem:s21+$0x190] =	vst v2  }
0x92: {  	[tilespmem:s21+$0x1A0] =	vst v2  }
0x93: {  	[tilespmem:s21+$0x1B0] =	vst v2  }
0x94: {  	[tilespmem:s21+$0x1C0] =	vst v2  }
0x95: {  	[tilespmem:s21+$0x1D0] =	vst v2  }
0x96: {  	[tilespmem:s21+$0x1E0] =	vst v2  }
0x97: {  	[tilespmem:s21+$0x1F0] =	vst v2  }
0x98: {  	_ =	swait.ge [sflag:s16], $0x2000  }
0x99: {  	[sflag:s16] =	ssyncset.done $0x0  }
0x9a: {  	[sflag:s16] =	ssyncadd.s32 $0xFFFFE000  }
0x9b: {  	_ =	swait.ge [sflag:s16], $0x2000  }
0x9c: {  	[sflag:s16] =	ssyncset.done $0x0  }
0x9d: {  	[sflag:s16] =	ssyncadd.s32 $0xFFFFE000  }
0x9e: {  	_ =	swait.ge [sflag:s16], $0x400  }
0x9f: {  	[sflag:s16] =	ssyncset.done $0x0  }
0xa0: {  	[sflag:s16] =	ssyncadd.s32 $0xFFFFFC00  }
0xa1: {  	_ =	swait.ge [sflag:s16], $0x1000  }
0xa2: {  	[sflag:s16] =	ssyncset.done $0x0  }
0xa3: {  	s21 =	simm.s32 $0x4000;
	s22 =	simm.s32 $0x4400;
	[sflag:s16] =	ssyncadd.s32 $0xFFFFF000  }
0xa4: {  	s23 =	simm.s32 $0x0;
	s24 =	simm.s32 $0x0;
	[bflag:$0x0] =	sbarrier.arrive $0xFFFF  }
.LBB2_4:
0xa5: {  	v12 =	vor.u32 s23, v1;
	_ =	sdelay $0x4  }
0xa6: {  	v13 =	vld.idx.msk [tilespmem:v12+s3+$0x0], $0xffff;
	_ =	sdelay $0x4  }
0xa7: {  	v14 =	vadd.s32 v3, v13;
	_ =	sdelay $0x4  }
0xa8: {  	v13 =	vshll.u32 v13, $0x4;
	[tilespmem:v14+s22+$0x0] =	vst.idx.add.f32.msk $0xffff, v4  }
0xa9: {  	v13 =	vor.u32 v0, v13;
	v12 =	vld.idx.msk [tilespmem:v12+s13+$0x0], $0xffff  }
0xaa: {  	v50 =	vor.u32 s23, v5;
	_ =	sdelay $0x3  }
0xab: {  	[tilespmem:v13+s17+$0x0] =	vst.idx.add.f32.msk $0xffff, v12  }
0xac: {  	v12 =	vld.idx.msk [tilespmem:v50+s3+$0x0], $0xffff;
	_ =	sdelay $0x4  }
0xad: {  	v51 =	vadd.s32 v3, v12;
	_ =	sdelay $0x4  }
0xae: {  	v12 =	vshll.u32 v12, $0x4;
	[tilespmem:v51+s22+$0x0] =	vst.idx.add.f32.msk $0xffff, v4  }
0xaf: {  	v12 =	vor.u32 v0, v12;
	v13 =	vld.idx.msk [tilespmem:v50+s13+$0x0], $0xffff  }
0xb0: {  	v52 =	vor.u32 s23, v6;
	_ =	sdelay $0x3  }
0xb1: {  	[tilespmem:v12+s17+$0x0] =	vst.idx.add.f32.msk $0xffff, v13  }
0xb2: {  	v12 =	vld.idx.msk [tilespmem:v52+s3+$0x0], $0xffff;
	_ =	sdelay $0x4  }
0xb3: {  	v53 =	vadd.s32 v3, v12;
	_ =	sdelay $0x4  }
0xb4: {  	v12 =	vshll.u32 v12, $0x4;
	[tilespmem:v53+s22+$0x0] =	vst.idx.add.f32.msk $0xffff, v4  }
0xb5: {  	v12 =	vor.u32 v0, v12;
	v13 =	vld.idx.msk [tilespmem:v52+s13+$0x0], $0xffff  }
0xb6: {  	v54 =	vor.u32 s23, v7;
	_ =	sdelay $0x3  }
0xb7: {  	[tilespmem:v12+s17+$0x0] =	vst.idx.add.f32.msk $0xffff, v13  }
0xb8: {  	v12 =	vld.idx.msk [tilespmem:v54+s3+$0x0], $0xffff;
	_ =	sdelay $0x4  }
0xb9: {  	v55 =	vadd.s32 v3, v12;
	_ =	sdelay $0x4  }
0xba: {  	v12 =	vshll.u32 v12, $0x4;
	[tilespmem:v55+s22+$0x0] =	vst.idx.add.f32.msk $0xffff, v4  }
0xbb: {  	v12 =	vor.u32 v0, v12;
	v13 =	vld.idx.msk [tilespmem:v54+s13+$0x0], $0xffff  }
0xbc: {  	v56 =	vor.u32 s23, v8;
	_ =	sdelay $0x3  }
0xbd: {  	[tilespmem:v12+s17+$0x0] =	vst.idx.add.f32.msk $0xffff, v13  }
0xbe: {  	v12 =	vld.idx.msk [tilespmem:v56+s3+$0x0], $0xffff;
	_ =	sdelay $0x4  }
0xbf: {  	v57 =	vadd.s32 v3, v12;
	_ =	sdelay $0x4  }
0xc0: {  	v12 =	vshll.u32 v12, $0x4;
	[tilespmem:v57+s22+$0x0] =	vst.idx.add.f32.msk $0xffff, v4  }
0xc1: {  	v12 =	vor.u32 v0, v12;
	v13 =	vld.idx.msk [tilespmem:v56+s13+$0x0], $0xffff  }
0xc2: {  	v58 =	vor.u32 s23, v9;
	_ =	sdelay $0x3  }
0xc3: {  	[tilespmem:v12+s17+$0x0] =	vst.idx.add.f32.msk $0xffff, v13  }
0xc4: {  	v12 =	vld.idx.msk [tilespmem:v58+s3+$0x0], $0xffff;
	_ =	sdelay $0x4  }
0xc5: {  	v59 =	vadd.s32 v3, v12;
	_ =	sdelay $0x4  }
0xc6: {  	v12 =	vshll.u32 v12, $0x4;
	[tilespmem:v59+s22+$0x0] =	vst.idx.add.f32.msk $0xffff, v4  }
0xc7: {  	v12 =	vor.u32 v0, v12;
	v13 =	vld.idx.msk [tilespmem:v58+s13+$0x0], $0xffff  }
0xc8: {  	v60 =	vor.u32 s23, v10;
	_ =	sdelay $0x3  }
0xc9: {  	[tilespmem:v12+s17+$0x0] =	vst.idx.add.f32.msk $0xffff, v13  }
0xca: {  	v12 =	vld.idx.msk [tilespmem:v60+s3+$0x0], $0xffff;
	_ =	sdelay $0x4  }
0xcb: {  	v61 =	vadd.s32 v3, v12;
	_ =	sdelay $0x4  }
0xcc: {  	v12 =	vshll.u32 v12, $0x4;
	[tilespmem:v61+s22+$0x0] =	vst.idx.add.f32.msk $0xffff, v4  }
0xcd: {  	v12 =	vor.u32 v0, v12;
	v13 =	vld.idx.msk [tilespmem:v60+s13+$0x0], $0xffff  }
0xce: {  	v62 =	vor.u32 s23, v11;
	_ =	sdelay $0x3  }
0xcf: {  	[tilespmem:v12+s17+$0x0] =	vst.idx.add.f32.msk $0xffff, v13  }
0xd0: {  	v12 =	vld.idx.msk [tilespmem:v62+s3+$0x0], $0xffff;
	_ =	sdelay $0x4  }
0xd1: {  	v63 =	vadd.s32 v3, v12;
	_ =	sdelay $0x4  }
0xd2: {  	v12 =	vshll.u32 v12, $0x4;
	[tilespmem:v63+s22+$0x0] =	vst.idx.add.f32.msk $0xffff, v4  }
0xd3: {  	v12 =	vor.u32 v0, v12;
	v13 =	vld.idx.msk [tilespmem:v62+s13+$0x0], $0xffff;
	_ =	sdelay $0x3  }
0xd4: {  	p0 =	slt.u32 s24, $0x8  }
0xd5: {  	s25 =	simm.s32 @!p0 $0x1;
	[tilespmem:v12+s17+$0x0] =	vst.idx.add.f32.msk $0xffff, v13  }
0xd6: {  	[spmem:s2] =	stream.indirect.scatter.add.f32 [tilespmem:s22], [sflag:$0x1], $0x40, s21, s18, $0xb8;
	[tilespmem:$0x1C800] =	vst v63  }
0xd7: {  	_ =	swait.ge @!p0 [sflag:s25], $0x400  }
0xd8: {  	s24 =	sadd.s32 $0x1, s24;
	[sflag:s25] =	ssyncset.done @!p0 $0x0  }
0xd9: {  	[sflag:s25] =	ssyncadd.s32 @!p0 $0xFFFFFC00;
	p0 =	sne.s32 s24, $0x40  }
.Ltmp1:
0xda: {  	_ = 	snop;
	(pc) =	sbr.rel @p0 .LBB2_4-.Ltmp1, $2  }
0xdb: {  	_ =	sdelay $0x2  }
0xdc: {  	s23 =	sadd.s32 $0x80, s23;
	s21 =	sadd.s32 $0x10, s21;
	s22 =	sadd.s32 $0x400, s22  }
0xdd: {  	_ =	swait.ge [sflag:s16], $0x400  }
0xde: {  	[sflag:s16] =	ssyncset.done $0x0  }
0xdf: {  	[sflag:s16] =	ssyncadd.s32 $0xFFFFFC00  }
0xe0: {  	_ =	swait.ge [sflag:s16], $0x400  }
0xe1: {  	[sflag:s16] =	ssyncset.done $0x0  }
0xe2: {  	[sflag:s16] =	ssyncadd.s32 $0xFFFFFC00  }
0xe3: {  	_ =	swait.ge [sflag:s16], $0x400  }
0xe4: {  	[sflag:s16] =	ssyncset.done $0x0  }
0xe5: {  	[sflag:s16] =	ssyncadd.s32 $0xFFFFFC00  }
0xe6: {  	_ =	swait.ge [sflag:s16], $0x400  }
0xe7: {  	[sflag:s16] =	ssyncset.done $0x0  }
0xe8: {  	[sflag:s16] =	ssyncadd.s32 $0xFFFFFC00  }
0xe9: {  	_ =	swait.ge [sflag:s16], $0x400  }
0xea: {  	[sflag:s16] =	ssyncset.done $0x0  }
0xeb: {  	[sflag:s16] =	ssyncadd.s32 $0xFFFFFC00  }
0xec: {  	_ =	swait.ge [sflag:s16], $0x400  }
0xed: {  	[sflag:s16] =	ssyncset.done $0x0  }
0xee: {  	[sflag:s16] =	ssyncadd.s32 $0xFFFFFC00  }
0xef: {  	_ =	swait.ge [sflag:s16], $0x400  }
0xf0: {  	[sflag:s16] =	ssyncset.done $0x0  }
0xf1: {  	[sflag:s16] =	ssyncadd.s32 $0xFFFFFC00  }
0xf2: {  	_ =	swait.ge [sflag:s16], $0x400  }
0xf3: {  	[sflag:s16] =	ssyncset.done $0x0  }
0xf4: {  	[sflag:s16] =	ssyncadd.s32 $0xFFFFFC00  }
0xf5: {  	[hbm4b:s10+s3] =	stream.linear.scatter [tilespmem:s17], [sflag:$0x2], $0x400, $0x38;
	[tilespmem:$0x1C800] =	vst v63  }
0xf6: {  	_ =	swait.ge [sflag:s19], $0x400  }
0xf7: {  	s20 =	sadd.s32 $0x1, s20;
	[sflag:s19] =	ssyncset.done $0x0  }
0xf8: {  	p0 =	sne.s32 s20, s12;
	[sflag:s19] =	ssyncadd.s32 $0xFFFFFC00  }
.Ltmp2:
0xf9: {  	s21 =	sor.u32 $0x1C02, s8;
	[bflag:$0x0] =	sbarrier.arrive $0xFFFF;
	(pc) =	sbr.rel @p0 .LBB2_1-.Ltmp2, $4  }
0xfa: {  	[hbm:s11], [sflag:s21] =	dma.local [spmem:s15], $0x1000  }
0xfb: {  	_ =	swait.ge [sflag:s19], $0x1000  }
0xfc: {  	[sflag:s19] =	ssyncset.done $0x0  }
0xfd: {  	[sflag:s19] =	ssyncadd.s32 $0xFFFFF000  }
0xfe: {  	_ =	sfence.sel $0x180000  }
0xff: {  	[bflag:$0x0] =	sbarrier.arrive $0xFFFF  }
0x100: {  	p0 =	sne.s32 s1, $0x0;
	_ =	strace $0x90000047  }
0x101: {  	s0 =	sadd.s32 @!p0 $0x100000, s0;
	[bflag:$0x2] =	sbarrier.arrive $0xFFFF  }
0x102: {  	[sflag:s0] =	ssyncadd.tile.s32 @!p0 $0x1;
	_ =	shalt  }
.Lfunc_end2:
_tile_overlayer_lowered:
.L_overlay_start_2:
0x103: {  	(tag) =	ssettag $0x2  }
0x104: {  	s0 =	rddreg [dreg:$0x0];
	s2 =	stileid.u32  }
0x105: {  	s1 =	rddreg [dreg:$0x1];
	p0 =	sne.s32 s2, $0x0  }
0x106: {  	s3 =	rddreg [dreg:$0x2];
	[bflag:$0x3] =	sbarrier.arrive $0xFFFF;
	s2 =	simm.s32 @!p0 $0x1C02  }
0x107: {  	[timem:s3], [sflag:s2] =	dma.local @!p0 [hbm:s0], s1  }
0x108: {  	s0 =	simm.s32 @!p0 $0x2  }
0x109: {  	_ =	swait.ge @!p0 [sflag:s0], s1  }
0x10a: {  	s1 =	ssub.s32 @!p0 $0x0, s1;
	[sflag:s0] =	ssyncset.done @!p0 $0x0  }
0x10b: {  	[sflag:s0] =	ssyncadd.s32 @!p0 s1  }
0x10c: {  	[bflag:$0x3] =	sbarrier.arrive $0xFFFF  }
0x10d: {  	_ =	shalt  }

</sc_bundles>
